<compile_context>
chip_gen: v7x
topology: tpu7x:2x2x1
jax: 0.10.2.dev20260603
libtpu: 0.0.44.dev20260713+nightly
codegen_flags: <defaults>
</compile_context>

<pallas_src>
import functools

import jax
import jax.numpy as jnp
from jax import lax
from jax.experimental import pallas as pl
from jax.experimental.pallas import tpu as pltpu
from jax.experimental.pallas import tpu_sc as plsc

_L = 16
_NC = 2
_NS = 16
_NW = _NC * _NS


def _neg_sqrt(x):
    xc = jnp.maximum(x, jnp.float32(1e-30))
    i = plsc.bitcast(xc, jnp.int32)
    i = jnp.int32(0x5F3759DF) - lax.shift_right_logical(i, 1)
    y = plsc.bitcast(i, jnp.float32)
    half = jnp.float32(0.5) * xc
    for _ in range(3):
        y = y * (jnp.float32(1.5) - half * y * y)
    return -(x * y)


def _unpack_pair(v):
    lo = plsc.bitcast(lax.shift_left(v, 16), jnp.float32)
    hi = plsc.bitcast(v & jnp.int32(-65536), jnp.float32)
    return lo, hi


def _tec_kernel(heads_hbm, rels_hbm, tails_hbm, etab_hbm, rtab_hbm, out_hbm,
                hidx, ridx, tidx, hrows, rrows, trows, outv, sem):
    bpw = hidx.shape[0]
    dpairs = hrows.shape[1]
    wid = lax.axis_index("s") * _NC + lax.axis_index("c")
    base = wid * bpw

    pltpu.sync_copy(heads_hbm.at[pl.ds(base, bpw)], hidx)
    pltpu.sync_copy(rels_hbm.at[pl.ds(base, bpw)], ridx)
    pltpu.sync_copy(tails_hbm.at[pl.ds(base, bpw)], tidx)

    cps = [
        pltpu.async_copy(etab_hbm.at[hidx], hrows, sem),
        pltpu.async_copy(rtab_hbm.at[ridx], rrows, sem),
        pltpu.async_copy(etab_hbm.at[tidx], trows, sem),
    ]
    for cp in cps:
        cp.wait()

    def group_body(g, carry):
        rows16 = g * _L + lax.iota(jnp.int32, _L)
        acc = jnp.zeros((_L,), jnp.float32)
        for j in range(dpairs):
            colj = jnp.full((_L,), j, jnp.int32)
            h0, h1 = _unpack_pair(plsc.load_gather(hrows, [rows16, colj]))
            r0, r1 = _unpack_pair(plsc.load_gather(rrows, [rows16, colj]))
            t0, t1 = _unpack_pair(plsc.load_gather(trows, [rows16, colj]))
            d0 = h0 + r0 - t0
            d1 = h1 + r1 - t1
            acc = acc + d0 * d0 + d1 * d1
        outv[pl.ds(g * _L, _L)] = _neg_sqrt(acc)
        return carry

    lax.fori_loop(0, bpw // _L, group_body, 0)
    pltpu.sync_copy(outv, out_hbm.at[pl.ds(base, bpw)])


def _pack_bf16(table):
    n, d = table.shape
    bf = table.astype(jnp.bfloat16).reshape(n, d // 2, 2)
    return jax.lax.bitcast_convert_type(bf, jnp.int32)


def kernel(heads, relations, tails, entity_embeddings, relation_embeddings):
    batch = heads.shape[0]
    dim = entity_embeddings.shape[1]
    assert batch % (8 * _NW) == 0 and dim % 2 == 0
    bpw = batch // _NW
    dpairs = dim // 2

    etab = _pack_bf16(entity_embeddings)
    rtab = _pack_bf16(relation_embeddings)

    mesh = plsc.VectorSubcoreMesh(core_axis_name="c", subcore_axis_name="s")
    kern = functools.partial(
        pl.kernel,
        mesh=mesh,
        out_type=jax.ShapeDtypeStruct((batch,), jnp.float32),
        scratch_types=[
            pltpu.VMEM((bpw,), jnp.int32),
            pltpu.VMEM((bpw,), jnp.int32),
            pltpu.VMEM((bpw,), jnp.int32),
            pltpu.VMEM((bpw, dpairs), jnp.int32),
            pltpu.VMEM((bpw, dpairs), jnp.int32),
            pltpu.VMEM((bpw, dpairs), jnp.int32),
            pltpu.VMEM((bpw,), jnp.float32),
            pltpu.SemaphoreType.DMA,
        ],
        compiler_params=pltpu.CompilerParams(
            needs_layout_passes=False, use_tc_tiling_on_sc=False),
    )(_tec_kernel)
    return kern(heads.astype(jnp.int32), relations.astype(jnp.int32),
                tails.astype(jnp.int32), etab, rtab)

# --- scband reference (transcript-rebuilt; emitter-appended) ---
"""Pipeline reference for scband-euclidean-kge-7576322310244 (READ-ONLY COPY).

The authoritative reference and input builder live on the scoring server;
editing this copy changes nothing except your own understanding.
"""

import jax, jax.numpy as jnp
import numpy as np

N_ENTITIES = 1000000
N_RELATIONS = 1000
EMBED_DIM = 32
BATCH = 16384

def setup_inputs(seed: int = 0) -> dict:
    key = jax.random.key(seed)
    k1, k2, k3, k4, k5 = jax.random.split(key, 5)
    heads = jax.random.randint(k1, (BATCH,), 0, N_ENTITIES, dtype=jnp.int64 if jax.config.jax_enable_x64 else jnp.int32)
    relations = jax.random.randint(k2, (BATCH,), 0, N_RELATIONS, dtype=jnp.int64 if jax.config.jax_enable_x64 else jnp.int32)
    tails = jax.random.randint(k3, (BATCH,), 0, N_ENTITIES, dtype=jnp.int64 if jax.config.jax_enable_x64 else jnp.int32)
    entity_embeddings = jax.random.normal(k4, (N_ENTITIES, EMBED_DIM), dtype=jnp.float32) * 0.01
    relation_embeddings = jax.random.normal(k5, (N_RELATIONS, EMBED_DIM), dtype=jnp.float32) * 0.01
    return {
        "heads": heads,
        "relations": relations,
        "tails": tails,
        "entity_embeddings": entity_embeddings,
        "relation_embeddings": relation_embeddings,
    }

def reference(heads, relations, tails, entity_embeddings, relation_embeddings):
    # TransE scoring: -||h + r - t||_2
    h = jnp.take(entity_embeddings, heads, axis=0)
    r = jnp.take(relation_embeddings, relations, axis=0)
    t = jnp.take(entity_embeddings, tails, axis=0)
    dist = jnp.linalg.norm(h + r - t, axis=-1)
    return -dist

if __name__ == "__main__":
    import jax
    _d = setup_inputs()
    print(jax.jit(kernel)(*tuple(_d.values())))

</pallas_src>

<mosaic_0001>
#map = affine_map<(d0, d1) -> (0)>
#map1 = affine_map<(d0, d1) -> (0, 0)>
module attributes {stable_mosaic.version = 14 : i64} {
  func.func @_tec_kernel(%arg0: i32, %arg1: i32, %arg2: memref<16384xi32, #tpu.memory_space<hbm>>, %arg3: memref<16384xi32, #tpu.memory_space<hbm>>, %arg4: memref<16384xi32, #tpu.memory_space<hbm>>, %arg5: memref<1000000x16xi32, #tpu.memory_space<hbm>>, %arg6: memref<1000x16xi32, #tpu.memory_space<hbm>>, %arg7: memref<16384xf32, #tpu.memory_space<hbm>>, %arg8: memref<512xi32, #tpu.memory_space<vmem>>, %arg9: memref<512xi32, #tpu.memory_space<vmem>>, %arg10: memref<512xi32, #tpu.memory_space<vmem>>, %arg11: memref<512x16xi32, #tpu.memory_space<vmem>>, %arg12: memref<512x16xi32, #tpu.memory_space<vmem>>, %arg13: memref<512x16xi32, #tpu.memory_space<vmem>>, %arg14: memref<512xf32, #tpu.memory_space<vmem>>, %arg15: memref<!tpu.dma_semaphore, #tpu.memory_space<semaphore_mem>>) attributes {dimension_semantics = [#tpu.dimension_semantics<core_parallel>, #tpu.dimension_semantics<subcore_parallel>], iteration_bounds = array<i64: 2, 16>, scalar_prefetch = 0 : i64, scratch_operands = 8 : i64, tpu.core_type = #tpu.core_type<sc_vector_subcore>, window_params = [{transform_indices = #map}, {transform_indices = #map}, {transform_indices = #map}, {transform_indices = #map1}, {transform_indices = #map1}, {transform_indices = #map}]} {
    %mul3A = arith.constant 2 : i32
    %mul3A_0 = arith.muli %arg1, %mul3A : i32
    %add3A = arith.addi %mul3A_0, %arg0 : i32
    %mul3A_1 = arith.constant 512 : i32
    %mul3A_2 = arith.muli %add3A, %mul3A_1 : i32
    "tpu.region"() ({
      %run_scoped3A = tpu.sem_alloc : memref<!tpu.dma_semaphore, #tpu.memory_space<semaphore_mem>>
      %dma_start3A_24 = tpu.memref_slice %arg2[%mul3A_2] : memref<16384xi32, #tpu.memory_space<hbm>> -> memref<512xi32, #tpu.memory_space<hbm>>
      %dma_start3A_25 = tpu.memref_slice %arg2[%mul3A_2] : memref<16384xi32, #tpu.memory_space<hbm>> -> memref<512xi32, #tpu.memory_space<hbm>>
      tpu.enqueue_dma source(%dma_start3A_25 : memref<512xi32, #tpu.memory_space<hbm>>) target(%arg8 : memref<512xi32, #tpu.memory_space<vmem>>) target_semaphore(%run_scoped3A : memref<!tpu.dma_semaphore, #tpu.memory_space<semaphore_mem>>)
      %dma_wait3A_26 = tpu.memref_slice %arg2[%mul3A_2] : memref<16384xi32, #tpu.memory_space<hbm>> -> memref<512xi32, #tpu.memory_space<hbm>>
      %dma_wait3A_27 = tpu.memref_slice %arg2[%mul3A_2] : memref<16384xi32, #tpu.memory_space<hbm>> -> memref<512xi32, #tpu.memory_space<hbm>>
      tpu.wait_dma2 semaphore(%run_scoped3A : memref<!tpu.dma_semaphore, #tpu.memory_space<semaphore_mem>>) src(%dma_wait3A_27 : memref<512xi32, #tpu.memory_space<hbm>>) dst(%arg8 : memref<512xi32, #tpu.memory_space<vmem>>)
      tpu.yield
    }) : () -> ()
    "tpu.region"() ({
      %run_scoped3A = tpu.sem_alloc : memref<!tpu.dma_semaphore, #tpu.memory_space<semaphore_mem>>
      %dma_start3A_24 = tpu.memref_slice %arg3[%mul3A_2] : memref<16384xi32, #tpu.memory_space<hbm>> -> memref<512xi32, #tpu.memory_space<hbm>>
      %dma_start3A_25 = tpu.memref_slice %arg3[%mul3A_2] : memref<16384xi32, #tpu.memory_space<hbm>> -> memref<512xi32, #tpu.memory_space<hbm>>
      tpu.enqueue_dma source(%dma_start3A_25 : memref<512xi32, #tpu.memory_space<hbm>>) target(%arg9 : memref<512xi32, #tpu.memory_space<vmem>>) target_semaphore(%run_scoped3A : memref<!tpu.dma_semaphore, #tpu.memory_space<semaphore_mem>>)
      %dma_wait3A_26 = tpu.memref_slice %arg3[%mul3A_2] : memref<16384xi32, #tpu.memory_space<hbm>> -> memref<512xi32, #tpu.memory_space<hbm>>
      %dma_wait3A_27 = tpu.memref_slice %arg3[%mul3A_2] : memref<16384xi32, #tpu.memory_space<hbm>> -> memref<512xi32, #tpu.memory_space<hbm>>
      tpu.wait_dma2 semaphore(%run_scoped3A : memref<!tpu.dma_semaphore, #tpu.memory_space<semaphore_mem>>) src(%dma_wait3A_27 : memref<512xi32, #tpu.memory_space<hbm>>) dst(%arg9 : memref<512xi32, #tpu.memory_space<vmem>>)
      tpu.yield
    }) : () -> ()
    "tpu.region"() ({
      %run_scoped3A = tpu.sem_alloc : memref<!tpu.dma_semaphore, #tpu.memory_space<semaphore_mem>>
      %dma_start3A_24 = tpu.memref_slice %arg4[%mul3A_2] : memref<16384xi32, #tpu.memory_space<hbm>> -> memref<512xi32, #tpu.memory_space<hbm>>
      %dma_start3A_25 = tpu.memref_slice %arg4[%mul3A_2] : memref<16384xi32, #tpu.memory_space<hbm>> -> memref<512xi32, #tpu.memory_space<hbm>>
      tpu.enqueue_dma source(%dma_start3A_25 : memref<512xi32, #tpu.memory_space<hbm>>) target(%arg10 : memref<512xi32, #tpu.memory_space<vmem>>) target_semaphore(%run_scoped3A : memref<!tpu.dma_semaphore, #tpu.memory_space<semaphore_mem>>)
      %dma_wait3A_26 = tpu.memref_slice %arg4[%mul3A_2] : memref<16384xi32, #tpu.memory_space<hbm>> -> memref<512xi32, #tpu.memory_space<hbm>>
      %dma_wait3A_27 = tpu.memref_slice %arg4[%mul3A_2] : memref<16384xi32, #tpu.memory_space<hbm>> -> memref<512xi32, #tpu.memory_space<hbm>>
      tpu.wait_dma2 semaphore(%run_scoped3A : memref<!tpu.dma_semaphore, #tpu.memory_space<semaphore_mem>>) src(%dma_wait3A_27 : memref<512xi32, #tpu.memory_space<hbm>>) dst(%arg10 : memref<512xi32, #tpu.memory_space<vmem>>)
      tpu.yield
    }) : () -> ()
    %dma_start3A = arith.constant 0 : i32
    %dma_start3A_3 = arith.constant 0 : i32
    %dma_start3A_4 = tpu.memref_slice %arg5[%dma_start3A, %dma_start3A_3] : memref<1000000x16xi32, #tpu.memory_space<hbm>> -> memref<1000000x16xi32, #tpu.memory_space<hbm>>
    tpu.enqueue_indirect_dma source(%dma_start3A_4 : memref<1000000x16xi32, #tpu.memory_space<hbm>>) target(%arg11 : memref<512x16xi32, #tpu.memory_space<vmem>>) offsets(%arg8 : memref<512xi32, #tpu.memory_space<vmem>>) semaphore(%arg15 : memref<!tpu.dma_semaphore, #tpu.memory_space<semaphore_mem>>)
    %dma_start3A_5 = arith.constant 0 : i32
    %dma_start3A_6 = arith.constant 0 : i32
    %dma_start3A_7 = tpu.memref_slice %arg6[%dma_start3A_5, %dma_start3A_6] : memref<1000x16xi32, #tpu.memory_space<hbm>> -> memref<1000x16xi32, #tpu.memory_space<hbm>>
    tpu.enqueue_indirect_dma source(%dma_start3A_7 : memref<1000x16xi32, #tpu.memory_space<hbm>>) target(%arg12 : memref<512x16xi32, #tpu.memory_space<vmem>>) offsets(%arg9 : memref<512xi32, #tpu.memory_space<vmem>>) semaphore(%arg15 : memref<!tpu.dma_semaphore, #tpu.memory_space<semaphore_mem>>)
    %dma_start3A_8 = arith.constant 0 : i32
    %dma_start3A_9 = arith.constant 0 : i32
    %dma_start3A_10 = tpu.memref_slice %arg5[%dma_start3A_8, %dma_start3A_9] : memref<1000000x16xi32, #tpu.memory_space<hbm>> -> memref<1000000x16xi32, #tpu.memory_space<hbm>>
    tpu.enqueue_indirect_dma source(%dma_start3A_10 : memref<1000000x16xi32, #tpu.memory_space<hbm>>) target(%arg13 : memref<512x16xi32, #tpu.memory_space<vmem>>) offsets(%arg10 : memref<512xi32, #tpu.memory_space<vmem>>) semaphore(%arg15 : memref<!tpu.dma_semaphore, #tpu.memory_space<semaphore_mem>>)
    %dma_wait3A = arith.constant 0 : i32
    %dma_wait3A_11 = arith.constant 0 : i32
    %dma_wait3A_12 = tpu.memref_slice %arg5[%dma_wait3A, %dma_wait3A_11] : memref<1000000x16xi32, #tpu.memory_space<hbm>> -> memref<1000000x16xi32, #tpu.memory_space<hbm>>
    tpu.wait_indirect_dma semaphore(%arg15 : memref<!tpu.dma_semaphore, #tpu.memory_space<semaphore_mem>>) src(%dma_wait3A_12 : memref<1000000x16xi32, #tpu.memory_space<hbm>>) dst(%arg11 : memref<512x16xi32, #tpu.memory_space<vmem>>)
    %dma_wait3A_13 = arith.constant 0 : i32
    %dma_wait3A_14 = arith.constant 0 : i32
    %dma_wait3A_15 = tpu.memref_slice %arg6[%dma_wait3A_13, %dma_wait3A_14] : memref<1000x16xi32, #tpu.memory_space<hbm>> -> memref<1000x16xi32, #tpu.memory_space<hbm>>
    tpu.wait_indirect_dma semaphore(%arg15 : memref<!tpu.dma_semaphore, #tpu.memory_space<semaphore_mem>>) src(%dma_wait3A_15 : memref<1000x16xi32, #tpu.memory_space<hbm>>) dst(%arg12 : memref<512x16xi32, #tpu.memory_space<vmem>>)
    %dma_wait3A_16 = arith.constant 0 : i32
    %dma_wait3A_17 = arith.constant 0 : i32
    %dma_wait3A_18 = tpu.memref_slice %arg5[%dma_wait3A_16, %dma_wait3A_17] : memref<1000000x16xi32, #tpu.memory_space<hbm>> -> memref<1000000x16xi32, #tpu.memory_space<hbm>>
    tpu.wait_indirect_dma semaphore(%arg15 : memref<!tpu.dma_semaphore, #tpu.memory_space<semaphore_mem>>) src(%dma_wait3A_18 : memref<1000000x16xi32, #tpu.memory_space<hbm>>) dst(%arg13 : memref<512x16xi32, #tpu.memory_space<vmem>>)
    %scan3A = arith.constant 0 : i32
    %scan3A_19 = arith.constant 0 : i32
    %scan3A_20 = arith.constant 32 : i32
    %scan3A_21 = arith.addi %scan3A_19, %scan3A_20 : i32
    %scan3A_22 = arith.constant 1 : i32
    scf.for %scan3A_24 = %scan3A_19 to %scan3A_21 step %scan3A_22  : i32 {
      %mul3A_25 = arith.constant 16 : i32
      %mul3A_26 = arith.muli %scan3A_24, %mul3A_25 : i32
      %iota3A = tpu.iota {dimensions = array<i32: 0>} : vector<16xi32>
      %add3A_27 = vector.broadcast %mul3A_26 : i32 to vector<16xi32>
      %add3A_28 = arith.addi %add3A_27, %iota3A : vector<16xi32>
      %broadcast_in_dim3A = arith.constant 0.000000e+00 : f32
      %broadcast_in_dim3A_29 = vector.broadcast %broadcast_in_dim3A : f32 to vector<16xf32>
      %broadcast_in_dim3A_30 = arith.constant 0 : i32
      %broadcast_in_dim3A_31 = vector.broadcast %broadcast_in_dim3A_30 : i32 to vector<16xi32>
      %gather3A = tpu.vector_load_idx %arg11[%add3A_28, %broadcast_in_dim3A_31] : memref<512x16xi32, #tpu.memory_space<vmem>>[vector<16xi32>, vector<16xi32>], vector<16xi32>,
      %shift_left3A = arith.constant 16 : i32
      %shift_left3A_32 = vector.broadcast %shift_left3A : i32 to vector<16xi32>
      %shift_left3A_33 = arith.shli %gather3A, %shift_left3A_32 : vector<16xi32>
      %bitcast3A = vector.bitcast %shift_left3A_33 : vector<16xi32> to vector<16xf32>
      %and3A = arith.constant -65536 : i32
      %and3A_34 = vector.broadcast %and3A : i32 to vector<16xi32>
      %and3A_35 = arith.andi %gather3A, %and3A_34 : vector<16xi32>
      %bitcast3A_36 = vector.bitcast %and3A_35 : vector<16xi32> to vector<16xf32>
      %gather3A_37 = tpu.vector_load_idx %arg12[%add3A_28, %broadcast_in_dim3A_31] : memref<512x16xi32, #tpu.memory_space<vmem>>[vector<16xi32>, vector<16xi32>], vector<16xi32>,
      %shift_left3A_38 = arith.constant 16 : i32
      %shift_left3A_39 = vector.broadcast %shift_left3A_38 : i32 to vector<16xi32>
      %shift_left3A_40 = arith.shli %gather3A_37, %shift_left3A_39 : vector<16xi32>
      %bitcast3A_41 = vector.bitcast %shift_left3A_40 : vector<16xi32> to vector<16xf32>
      %and3A_42 = arith.constant -65536 : i32
      %and3A_43 = vector.broadcast %and3A_42 : i32 to vector<16xi32>
      %and3A_44 = arith.andi %gather3A_37, %and3A_43 : vector<16xi32>
      %bitcast3A_45 = vector.bitcast %and3A_44 : vector<16xi32> to vector<16xf32>
      %gather3A_46 = tpu.vector_load_idx %arg13[%add3A_28, %broadcast_in_dim3A_31] : memref<512x16xi32, #tpu.memory_space<vmem>>[vector<16xi32>, vector<16xi32>], vector<16xi32>,
      %shift_left3A_47 = arith.constant 16 : i32
      %shift_left3A_48 = vector.broadcast %shift_left3A_47 : i32 to vector<16xi32>
      %shift_left3A_49 = arith.shli %gather3A_46, %shift_left3A_48 : vector<16xi32>
      %bitcast3A_50 = vector.bitcast %shift_left3A_49 : vector<16xi32> to vector<16xf32>
      %and3A_51 = arith.constant -65536 : i32
      %and3A_52 = vector.broadcast %and3A_51 : i32 to vector<16xi32>
      %and3A_53 = arith.andi %gather3A_46, %and3A_52 : vector<16xi32>
      %bitcast3A_54 = vector.bitcast %and3A_53 : vector<16xi32> to vector<16xf32>
      %add3A_55 = arith.addf %bitcast3A, %bitcast3A_41 : vector<16xf32>
      %sub3A = arith.subf %add3A_55, %bitcast3A_50 : vector<16xf32>
      %add3A_56 = arith.addf %bitcast3A_36, %bitcast3A_45 : vector<16xf32>
      %sub3A_57 = arith.subf %add3A_56, %bitcast3A_54 : vector<16xf32>
      %mul3A_58 = arith.mulf %sub3A, %sub3A : vector<16xf32>
      %add3A_59 = arith.addf %broadcast_in_dim3A_29, %mul3A_58 : vector<16xf32>
      %mul3A_60 = arith.mulf %sub3A_57, %sub3A_57 : vector<16xf32>
      %add3A_61 = arith.addf %add3A_59, %mul3A_60 : vector<16xf32>
      %broadcast_in_dim3A_62 = arith.constant 1 : i32
      %broadcast_in_dim3A_63 = vector.broadcast %broadcast_in_dim3A_62 : i32 to vector<16xi32>
      %gather3A_64 = tpu.vector_load_idx %arg11[%add3A_28, %broadcast_in_dim3A_63] : memref<512x16xi32, #tpu.memory_space<vmem>>[vector<16xi32>, vector<16xi32>], vector<16xi32>,
      %shift_left3A_65 = arith.constant 16 : i32
      %shift_left3A_66 = vector.broadcast %shift_left3A_65 : i32 to vector<16xi32>
      %shift_left3A_67 = arith.shli %gather3A_64, %shift_left3A_66 : vector<16xi32>
      %bitcast3A_68 = vector.bitcast %shift_left3A_67 : vector<16xi32> to vector<16xf32>
      %and3A_69 = arith.constant -65536 : i32
      %and3A_70 = vector.broadcast %and3A_69 : i32 to vector<16xi32>
      %and3A_71 = arith.andi %gather3A_64, %and3A_70 : vector<16xi32>
      %bitcast3A_72 = vector.bitcast %and3A_71 : vector<16xi32> to vector<16xf32>
      %gather3A_73 = tpu.vector_load_idx %arg12[%add3A_28, %broadcast_in_dim3A_63] : memref<512x16xi32, #tpu.memory_space<vmem>>[vector<16xi32>, vector<16xi32>], vector<16xi32>,
      %shift_left3A_74 = arith.constant 16 : i32
      %shift_left3A_75 = vector.broadcast %shift_left3A_74 : i32 to vector<16xi32>
      %shift_left3A_76 = arith.shli %gather3A_73, %shift_left3A_75 : vector<16xi32>
      %bitcast3A_77 = vector.bitcast %shift_left3A_76 : vector<16xi32> to vector<16xf32>
      %and3A_78 = arith.constant -65536 : i32
      %and3A_79 = vector.broadcast %and3A_78 : i32 to vector<16xi32>
      %and3A_80 = arith.andi %gather3A_73, %and3A_79 : vector<16xi32>
      %bitcast3A_81 = vector.bitcast %and3A_80 : vector<16xi32> to vector<16xf32>
      %gather3A_82 = tpu.vector_load_idx %arg13[%add3A_28, %broadcast_in_dim3A_63] : memref<512x16xi32, #tpu.memory_space<vmem>>[vector<16xi32>, vector<16xi32>], vector<16xi32>,
      %shift_left3A_83 = arith.constant 16 : i32
      %shift_left3A_84 = vector.broadcast %shift_left3A_83 : i32 to vector<16xi32>
      %shift_left3A_85 = arith.shli %gather3A_82, %shift_left3A_84 : vector<16xi32>
      %bitcast3A_86 = vector.bitcast %shift_left3A_85 : vector<16xi32> to vector<16xf32>
      %and3A_87 = arith.constant -65536 : i32
      %and3A_88 = vector.broadcast %and3A_87 : i32 to vector<16xi32>
      %and3A_89 = arith.andi %gather3A_82, %and3A_88 : vector<16xi32>
      %bitcast3A_90 = vector.bitcast %and3A_89 : vector<16xi32> to vector<16xf32>
      %add3A_91 = arith.addf %bitcast3A_68, %bitcast3A_77 : vector<16xf32>
      %sub3A_92 = arith.subf %add3A_91, %bitcast3A_86 : vector<16xf32>
      %add3A_93 = arith.addf %bitcast3A_72, %bitcast3A_81 : vector<16xf32>
      %sub3A_94 = arith.subf %add3A_93, %bitcast3A_90 : vector<16xf32>
      %mul3A_95 = arith.mulf %sub3A_92, %sub3A_92 : vector<16xf32>
      %add3A_96 = arith.addf %add3A_61, %mul3A_95 : vector<16xf32>
      %mul3A_97 = arith.mulf %sub3A_94, %sub3A_94 : vector<16xf32>
      %add3A_98 = arith.addf %add3A_96, %mul3A_97 : vector<16xf32>
      %broadcast_in_dim3A_99 = arith.constant 2 : i32
      %broadcast_in_dim3A_100 = vector.broadcast %broadcast_in_dim3A_99 : i32 to vector<16xi32>
      %gather3A_101 = tpu.vector_load_idx %arg11[%add3A_28, %broadcast_in_dim3A_100] : memref<512x16xi32, #tpu.memory_space<vmem>>[vector<16xi32>, vector<16xi32>], vector<16xi32>,
      %shift_left3A_102 = arith.constant 16 : i32
      %shift_left3A_103 = vector.broadcast %shift_left3A_102 : i32 to vector<16xi32>
      %shift_left3A_104 = arith.shli %gather3A_101, %shift_left3A_103 : vector<16xi32>
      %bitcast3A_105 = vector.bitcast %shift_left3A_104 : vector<16xi32> to vector<16xf32>
      %and3A_106 = arith.constant -65536 : i32
      %and3A_107 = vector.broadcast %and3A_106 : i32 to vector<16xi32>
      %and3A_108 = arith.andi %gather3A_101, %and3A_107 : vector<16xi32>
      %bitcast3A_109 = vector.bitcast %and3A_108 : vector<16xi32> to vector<16xf32>
      %gather3A_110 = tpu.vector_load_idx %arg12[%add3A_28, %broadcast_in_dim3A_100] : memref<512x16xi32, #tpu.memory_space<vmem>>[vector<16xi32>, vector<16xi32>], vector<16xi32>,
      %shift_left3A_111 = arith.constant 16 : i32
      %shift_left3A_112 = vector.broadcast %shift_left3A_111 : i32 to vector<16xi32>
      %shift_left3A_113 = arith.shli %gather3A_110, %shift_left3A_112 : vector<16xi32>
      %bitcast3A_114 = vector.bitcast %shift_left3A_113 : vector<16xi32> to vector<16xf32>
      %and3A_115 = arith.constant -65536 : i32
      %and3A_116 = vector.broadcast %and3A_115 : i32 to vector<16xi32>
      %and3A_117 = arith.andi %gather3A_110, %and3A_116 : vector<16xi32>
      %bitcast3A_118 = vector.bitcast %and3A_117 : vector<16xi32> to vector<16xf32>
      %gather3A_119 = tpu.vector_load_idx %arg13[%add3A_28, %broadcast_in_dim3A_100] : memref<512x16xi32, #tpu.memory_space<vmem>>[vector<16xi32>, vector<16xi32>], vector<16xi32>,
      %shift_left3A_120 = arith.constant 16 : i32
      %shift_left3A_121 = vector.broadcast %shift_left3A_120 : i32 to vector<16xi32>
      %shift_left3A_122 = arith.shli %gather3A_119, %shift_left3A_121 : vector<16xi32>
      %bitcast3A_123 = vector.bitcast %shift_left3A_122 : vector<16xi32> to vector<16xf32>
      %and3A_124 = arith.constant -65536 : i32
      %and3A_125 = vector.broadcast %and3A_124 : i32 to vector<16xi32>
      %and3A_126 = arith.andi %gather3A_119, %and3A_125 : vector<16xi32>
      %bitcast3A_127 = vector.bitcast %and3A_126 : vector<16xi32> to vector<16xf32>
      %add3A_128 = arith.addf %bitcast3A_105, %bitcast3A_114 : vector<16xf32>
      %sub3A_129 = arith.subf %add3A_128, %bitcast3A_123 : vector<16xf32>
      %add3A_130 = arith.addf %bitcast3A_109, %bitcast3A_118 : vector<16xf32>
      %sub3A_131 = arith.subf %add3A_130, %bitcast3A_127 : vector<16xf32>
      %mul3A_132 = arith.mulf %sub3A_129, %sub3A_129 : vector<16xf32>
      %add3A_133 = arith.addf %add3A_98, %mul3A_132 : vector<16xf32>
      %mul3A_134 = arith.mulf %sub3A_131, %sub3A_131 : vector<16xf32>
      %add3A_135 = arith.addf %add3A_133, %mul3A_134 : vector<16xf32>
      %broadcast_in_dim3A_136 = arith.constant 3 : i32
      %broadcast_in_dim3A_137 = vector.broadcast %broadcast_in_dim3A_136 : i32 to vector<16xi32>
      %gather3A_138 = tpu.vector_load_idx %arg11[%add3A_28, %broadcast_in_dim3A_137] : memref<512x16xi32, #tpu.memory_space<vmem>>[vector<16xi32>, vector<16xi32>], vector<16xi32>,
      %shift_left3A_139 = arith.constant 16 : i32
      %shift_left3A_140 = vector.broadcast %shift_left3A_139 : i32 to vector<16xi32>
      %shift_left3A_141 = arith.shli %gather3A_138, %shift_left3A_140 : vector<16xi32>
      %bitcast3A_142 = vector.bitcast %shift_left3A_141 : vector<16xi32> to vector<16xf32>
      %and3A_143 = arith.constant -65536 : i32
      %and3A_144 = vector.broadcast %and3A_143 : i32 to vector<16xi32>
      %and3A_145 = arith.andi %gather3A_138, %and3A_144 : vector<16xi32>
      %bitcast3A_146 = vector.bitcast %and3A_145 : vector<16xi32> to vector<16xf32>
      %gather3A_147 = tpu.vector_load_idx %arg12[%add3A_28, %broadcast_in_dim3A_137] : memref<512x16xi32, #tpu.memory_space<vmem>>[vector<16xi32>, vector<16xi32>], vector<16xi32>,
      %shift_left3A_148 = arith.constant 16 : i32
      %shift_left3A_149 = vector.broadcast %shift_left3A_148 : i32 to vector<16xi32>
      %shift_left3A_150 = arith.shli %gather3A_147, %shift_left3A_149 : vector<16xi32>
      %bitcast3A_151 = vector.bitcast %shift_left3A_150 : vector<16xi32> to vector<16xf32>
      %and3A_152 = arith.constant -65536 : i32
      %and3A_153 = vector.broadcast %and3A_152 : i32 to vector<16xi32>
      %and3A_154 = arith.andi %gather3A_147, %and3A_153 : vector<16xi32>
      %bitcast3A_155 = vector.bitcast %and3A_154 : vector<16xi32> to vector<16xf32>
      %gather3A_156 = tpu.vector_load_idx %arg13[%add3A_28, %broadcast_in_dim3A_137] : memref<512x16xi32, #tpu.memory_space<vmem>>[vector<16xi32>, vector<16xi32>], vector<16xi32>,
      %shift_left3A_157 = arith.constant 16 : i32
      %shift_left3A_158 = vector.broadcast %shift_left3A_157 : i32 to vector<16xi32>
      %shift_left3A_159 = arith.shli %gather3A_156, %shift_left3A_158 : vector<16xi32>
      %bitcast3A_160 = vector.bitcast %shift_left3A_159 : vector<16xi32> to vector<16xf32>
      %and3A_161 = arith.constant -65536 : i32
      %and3A_162 = vector.broadcast %and3A_161 : i32 to vector<16xi32>
      %and3A_163 = arith.andi %gather3A_156, %and3A_162 : vector<16xi32>
      %bitcast3A_164 = vector.bitcast %and3A_163 : vector<16xi32> to vector<16xf32>
      %add3A_165 = arith.addf %bitcast3A_142, %bitcast3A_151 : vector<16xf32>
      %sub3A_166 = arith.subf %add3A_165, %bitcast3A_160 : vector<16xf32>
      %add3A_167 = arith.addf %bitcast3A_146, %bitcast3A_155 : vector<16xf32>
      %sub3A_168 = arith.subf %add3A_167, %bitcast3A_164 : vector<16xf32>
      %mul3A_169 = arith.mulf %sub3A_166, %sub3A_166 : vector<16xf32>
      %add3A_170 = arith.addf %add3A_135, %mul3A_169 : vector<16xf32>
      %mul3A_171 = arith.mulf %sub3A_168, %sub3A_168 : vector<16xf32>
      %add3A_172 = arith.addf %add3A_170, %mul3A_171 : vector<16xf32>
      %broadcast_in_dim3A_173 = arith.constant 4 : i32
      %broadcast_in_dim3A_174 = vector.broadcast %broadcast_in_dim3A_173 : i32 to vector<16xi32>
      %gather3A_175 = tpu.vector_load_idx %arg11[%add3A_28, %broadcast_in_dim3A_174] : memref<512x16xi32, #tpu.memory_space<vmem>>[vector<16xi32>, vector<16xi32>], vector<16xi32>,
      %shift_left3A_176 = arith.constant 16 : i32
      %shift_left3A_177 = vector.broadcast %shift_left3A_176 : i32 to vector<16xi32>
      %shift_left3A_178 = arith.shli %gather3A_175, %shift_left3A_177 : vector<16xi32>
      %bitcast3A_179 = vector.bitcast %shift_left3A_178 : vector<16xi32> to vector<16xf32>
      %and3A_180 = arith.constant -65536 : i32
      %and3A_181 = vector.broadcast %and3A_180 : i32 to vector<16xi32>
      %and3A_182 = arith.andi %gather3A_175, %and3A_181 : vector<16xi32>
      %bitcast3A_183 = vector.bitcast %and3A_182 : vector<16xi32> to vector<16xf32>
      %gather3A_184 = tpu.vector_load_idx %arg12[%add3A_28, %broadcast_in_dim3A_174] : memref<512x16xi32, #tpu.memory_space<vmem>>[vector<16xi32>, vector<16xi32>], vector<16xi32>,
      %shift_left3A_185 = arith.constant 16 : i32
      %shift_left3A_186 = vector.broadcast %shift_left3A_185 : i32 to vector<16xi32>
      %shift_left3A_187 = arith.shli %gather3A_184, %shift_left3A_186 : vector<16xi32>
      %bitcast3A_188 = vector.bitcast %shift_left3A_187 : vector<16xi32> to vector<16xf32>
      %and3A_189 = arith.constant -65536 : i32
      %and3A_190 = vector.broadcast %and3A_189 : i32 to vector<16xi32>
      %and3A_191 = arith.andi %gather3A_184, %and3A_190 : vector<16xi32>
      %bitcast3A_192 = vector.bitcast %and3A_191 : vector<16xi32> to vector<16xf32>
      %gather3A_193 = tpu.vector_load_idx %arg13[%add3A_28, %broadcast_in_dim3A_174] : memref<512x16xi32, #tpu.memory_space<vmem>>[vector<16xi32>, vector<16xi32>], vector<16xi32>,
      %shift_left3A_194 = arith.constant 16 : i32
      %shift_left3A_195 = vector.broadcast %shift_left3A_194 : i32 to vector<16xi32>
      %shift_left3A_196 = arith.shli %gather3A_193, %shift_left3A_195 : vector<16xi32>
      %bitcast3A_197 = vector.bitcast %shift_left3A_196 : vector<16xi32> to vector<16xf32>
      %and3A_198 = arith.constant -65536 : i32
      %and3A_199 = vector.broadcast %and3A_198 : i32 to vector<16xi32>
      %and3A_200 = arith.andi %gather3A_193, %and3A_199 : vector<16xi32>
      %bitcast3A_201 = vector.bitcast %and3A_200 : vector<16xi32> to vector<16xf32>
      %add3A_202 = arith.addf %bitcast3A_179, %bitcast3A_188 : vector<16xf32>
      %sub3A_203 = arith.subf %add3A_202, %bitcast3A_197 : vector<16xf32>
      %add3A_204 = arith.addf %bitcast3A_183, %bitcast3A_192 : vector<16xf32>
      %sub3A_205 = arith.subf %add3A_204, %bitcast3A_201 : vector<16xf32>
      %mul3A_206 = arith.mulf %sub3A_203, %sub3A_203 : vector<16xf32>
      %add3A_207 = arith.addf %add3A_172, %mul3A_206 : vector<16xf32>
      %mul3A_208 = arith.mulf %sub3A_205, %sub3A_205 : vector<16xf32>
      %add3A_209 = arith.addf %add3A_207, %mul3A_208 : vector<16xf32>
      %broadcast_in_dim3A_210 = arith.constant 5 : i32
      %broadcast_in_dim3A_211 = vector.broadcast %broadcast_in_dim3A_210 : i32 to vector<16xi32>
      %gather3A_212 = tpu.vector_load_idx %arg11[%add3A_28, %broadcast_in_dim3A_211] : memref<512x16xi32, #tpu.memory_space<vmem>>[vector<16xi32>, vector<16xi32>], vector<16xi32>,
      %shift_left3A_213 = arith.constant 16 : i32
      %shift_left3A_214 = vector.broadcast %shift_left3A_213 : i32 to vector<16xi32>
      %shift_left3A_215 = arith.shli %gather3A_212, %shift_left3A_214 : vector<16xi32>
      %bitcast3A_216 = vector.bitcast %shift_left3A_215 : vector<16xi32> to vector<16xf32>
      %and3A_217 = arith.constant -65536 : i32
      %and3A_218 = vector.broadcast %and3A_217 : i32 to vector<16xi32>
      %and3A_219 = arith.andi %gather3A_212, %and3A_218 : vector<16xi32>
      %bitcast3A_220 = vector.bitcast %and3A_219 : vector<16xi32> to vector<16xf32>
      %gather3A_221 = tpu.vector_load_idx %arg12[%add3A_28, %broadcast_in_dim3A_211] : memref<512x16xi32, #tpu.memory_space<vmem>>[vector<16xi32>, vector<16xi32>], vector<16xi32>,
      %shift_left3A_222 = arith.constant 16 : i32
      %shift_left3A_223 = vector.broadcast %shift_left3A_222 : i32 to vector<16xi32>
      %shift_left3A_224 = arith.shli %gather3A_221, %shift_left3A_223 : vector<16xi32>
      %bitcast3A_225 = vector.bitcast %shift_left3A_224 : vector<16xi32> to vector<16xf32>
      %and3A_226 = arith.constant -65536 : i32
      %and3A_227 = vector.broadcast %and3A_226 : i32 to vector<16xi32>
      %and3A_228 = arith.andi %gather3A_221, %and3A_227 : vector<16xi32>
      %bitcast3A_229 = vector.bitcast %and3A_228 : vector<16xi32> to vector<16xf32>
      %gather3A_230 = tpu.vector_load_idx %arg13[%add3A_28, %broadcast_in_dim3A_211] : memref<512x16xi32, #tpu.memory_space<vmem>>[vector<16xi32>, vector<16xi32>], vector<16xi32>,
      %shift_left3A_231 = arith.constant 16 : i32
      %shift_left3A_232 = vector.broadcast %shift_left3A_231 : i32 to vector<16xi32>
      %shift_left3A_233 = arith.shli %gather3A_230, %shift_left3A_232 : vector<16xi32>
      %bitcast3A_234 = vector.bitcast %shift_left3A_233 : vector<16xi32> to vector<16xf32>
      %and3A_235 = arith.constant -65536 : i32
      %and3A_236 = vector.broadcast %and3A_235 : i32 to vector<16xi32>
      %and3A_237 = arith.andi %gather3A_230, %and3A_236 : vector<16xi32>
      %bitcast3A_238 = vector.bitcast %and3A_237 : vector<16xi32> to vector<16xf32>
      %add3A_239 = arith.addf %bitcast3A_216, %bitcast3A_225 : vector<16xf32>
      %sub3A_240 = arith.subf %add3A_239, %bitcast3A_234 : vector<16xf32>
      %add3A_241 = arith.addf %bitcast3A_220, %bitcast3A_229 : vector<16xf32>
      %sub3A_242 = arith.subf %add3A_241, %bitcast3A_238 : vector<16xf32>
      %mul3A_243 = arith.mulf %sub3A_240, %sub3A_240 : vector<16xf32>
      %add3A_244 = arith.addf %add3A_209, %mul3A_243 : vector<16xf32>
      %mul3A_245 = arith.mulf %sub3A_242, %sub3A_242 : vector<16xf32>
      %add3A_246 = arith.addf %add3A_244, %mul3A_245 : vector<16xf32>
      %broadcast_in_dim3A_247 = arith.constant 6 : i32
      %broadcast_in_dim3A_248 = vector.broadcast %broadcast_in_dim3A_247 : i32 to vector<16xi32>
      %gather3A_249 = tpu.vector_load_idx %arg11[%add3A_28, %broadcast_in_dim3A_248] : memref<512x16xi32, #tpu.memory_space<vmem>>[vector<16xi32>, vector<16xi32>], vector<16xi32>,
      %shift_left3A_250 = arith.constant 16 : i32
      %shift_left3A_251 = vector.broadcast %shift_left3A_250 : i32 to vector<16xi32>
      %shift_left3A_252 = arith.shli %gather3A_249, %shift_left3A_251 : vector<16xi32>
      %bitcast3A_253 = vector.bitcast %shift_left3A_252 : vector<16xi32> to vector<16xf32>
      %and3A_254 = arith.constant -65536 : i32
      %and3A_255 = vector.broadcast %and3A_254 : i32 to vector<16xi32>
      %and3A_256 = arith.andi %gather3A_249, %and3A_255 : vector<16xi32>
      %bitcast3A_257 = vector.bitcast %and3A_256 : vector<16xi32> to vector<16xf32>
      %gather3A_258 = tpu.vector_load_idx %arg12[%add3A_28, %broadcast_in_dim3A_248] : memref<512x16xi32, #tpu.memory_space<vmem>>[vector<16xi32>, vector<16xi32>], vector<16xi32>,
      %shift_left3A_259 = arith.constant 16 : i32
      %shift_left3A_260 = vector.broadcast %shift_left3A_259 : i32 to vector<16xi32>
      %shift_left3A_261 = arith.shli %gather3A_258, %shift_left3A_260 : vector<16xi32>
      %bitcast3A_262 = vector.bitcast %shift_left3A_261 : vector<16xi32> to vector<16xf32>
      %and3A_263 = arith.constant -65536 : i32
      %and3A_264 = vector.broadcast %and3A_263 : i32 to vector<16xi32>
      %and3A_265 = arith.andi %gather3A_258, %and3A_264 : vector<16xi32>
      %bitcast3A_266 = vector.bitcast %and3A_265 : vector<16xi32> to vector<16xf32>
      %gather3A_267 = tpu.vector_load_idx %arg13[%add3A_28, %broadcast_in_dim3A_248] : memref<512x16xi32, #tpu.memory_space<vmem>>[vector<16xi32>, vector<16xi32>], vector<16xi32>,
      %shift_left3A_268 = arith.constant 16 : i32
      %shift_left3A_269 = vector.broadcast %shift_left3A_268 : i32 to vector<16xi32>
      %shift_left3A_270 = arith.shli %gather3A_267, %shift_left3A_269 : vector<16xi32>
      %bitcast3A_271 = vector.bitcast %shift_left3A_270 : vector<16xi32> to vector<16xf32>
      %and3A_272 = arith.constant -65536 : i32
      %and3A_273 = vector.broadcast %and3A_272 : i32 to vector<16xi32>
      %and3A_274 = arith.andi %gather3A_267, %and3A_273 : vector<16xi32>
      %bitcast3A_275 = vector.bitcast %and3A_274 : vector<16xi32> to vector<16xf32>
      %add3A_276 = arith.addf %bitcast3A_253, %bitcast3A_262 : vector<16xf32>
      %sub3A_277 = arith.subf %add3A_276, %bitcast3A_271 : vector<16xf32>
      %add3A_278 = arith.addf %bitcast3A_257, %bitcast3A_266 : vector<16xf32>
      %sub3A_279 = arith.subf %add3A_278, %bitcast3A_275 : vector<16xf32>
      %mul3A_280 = arith.mulf %sub3A_277, %sub3A_277 : vector<16xf32>
      %add3A_281 = arith.addf %add3A_246, %mul3A_280 : vector<16xf32>
      %mul3A_282 = arith.mulf %sub3A_279, %sub3A_279 : vector<16xf32>
      %add3A_283 = arith.addf %add3A_281, %mul3A_282 : vector<16xf32>
      %broadcast_in_dim3A_284 = arith.constant 7 : i32
      %broadcast_in_dim3A_285 = vector.broadcast %broadcast_in_dim3A_284 : i32 to vector<16xi32>
      %gather3A_286 = tpu.vector_load_idx %arg11[%add3A_28, %broadcast_in_dim3A_285] : memref<512x16xi32, #tpu.memory_space<vmem>>[vector<16xi32>, vector<16xi32>], vector<16xi32>,
      %shift_left3A_287 = arith.constant 16 : i32
      %shift_left3A_288 = vector.broadcast %shift_left3A_287 : i32 to vector<16xi32>
      %shift_left3A_289 = arith.shli %gather3A_286, %shift_left3A_288 : vector<16xi32>
      %bitcast3A_290 = vector.bitcast %shift_left3A_289 : vector<16xi32> to vector<16xf32>
      %and3A_291 = arith.constant -65536 : i32
      %and3A_292 = vector.broadcast %and3A_291 : i32 to vector<16xi32>
      %and3A_293 = arith.andi %gather3A_286, %and3A_292 : vector<16xi32>
      %bitcast3A_294 = vector.bitcast %and3A_293 : vector<16xi32> to vector<16xf32>
      %gather3A_295 = tpu.vector_load_idx %arg12[%add3A_28, %broadcast_in_dim3A_285] : memref<512x16xi32, #tpu.memory_space<vmem>>[vector<16xi32>, vector<16xi32>], vector<16xi32>,
      %shift_left3A_296 = arith.constant 16 : i32
      %shift_left3A_297 = vector.broadcast %shift_left3A_296 : i32 to vector<16xi32>
      %shift_left3A_298 = arith.shli %gather3A_295, %shift_left3A_297 : vector<16xi32>
      %bitcast3A_299 = vector.bitcast %shift_left3A_298 : vector<16xi32> to vector<16xf32>
      %and3A_300 = arith.constant -65536 : i32
      %and3A_301 = vector.broadcast %and3A_300 : i32 to vector<16xi32>
      %and3A_302 = arith.andi %gather3A_295, %and3A_301 : vector<16xi32>
      %bitcast3A_303 = vector.bitcast %and3A_302 : vector<16xi32> to vector<16xf32>
      %gather3A_304 = tpu.vector_load_idx %arg13[%add3A_28, %broadcast_in_dim3A_285] : memref<512x16xi32, #tpu.memory_space<vmem>>[vector<16xi32>, vector<16xi32>], vector<16xi32>,
      %shift_left3A_305 = arith.constant 16 : i32
      %shift_left3A_306 = vector.broadcast %shift_left3A_305 : i32 to vector<16xi32>
      %shift_left3A_307 = arith.shli %gather3A_304, %shift_left3A_306 : vector<16xi32>
      %bitcast3A_308 = vector.bitcast %shift_left3A_307 : vector<16xi32> to vector<16xf32>
      %and3A_309 = arith.constant -65536 : i32
      %and3A_310 = vector.broadcast %and3A_309 : i32 to vector<16xi32>
      %and3A_311 = arith.andi %gather3A_304, %and3A_310 : vector<16xi32>
      %bitcast3A_312 = vector.bitcast %and3A_311 : vector<16xi32> to vector<16xf32>
      %add3A_313 = arith.addf %bitcast3A_290, %bitcast3A_299 : vector<16xf32>
      %sub3A_314 = arith.subf %add3A_313, %bitcast3A_308 : vector<16xf32>
      %add3A_315 = arith.addf %bitcast3A_294, %bitcast3A_303 : vector<16xf32>
      %sub3A_316 = arith.subf %add3A_315, %bitcast3A_312 : vector<16xf32>
      %mul3A_317 = arith.mulf %sub3A_314, %sub3A_314 : vector<16xf32>
      %add3A_318 = arith.addf %add3A_283, %mul3A_317 : vector<16xf32>
      %mul3A_319 = arith.mulf %sub3A_316, %sub3A_316 : vector<16xf32>
      %add3A_320 = arith.addf %add3A_318, %mul3A_319 : vector<16xf32>
      %broadcast_in_dim3A_321 = arith.constant 8 : i32
      %broadcast_in_dim3A_322 = vector.broadcast %broadcast_in_dim3A_321 : i32 to vector<16xi32>
      %gather3A_323 = tpu.vector_load_idx %arg11[%add3A_28, %broadcast_in_dim3A_322] : memref<512x16xi32, #tpu.memory_space<vmem>>[vector<16xi32>, vector<16xi32>], vector<16xi32>,
      %shift_left3A_324 = arith.constant 16 : i32
      %shift_left3A_325 = vector.broadcast %shift_left3A_324 : i32 to vector<16xi32>
      %shift_left3A_326 = arith.shli %gather3A_323, %shift_left3A_325 : vector<16xi32>
      %bitcast3A_327 = vector.bitcast %shift_left3A_326 : vector<16xi32> to vector<16xf32>
      %and3A_328 = arith.constant -65536 : i32
      %and3A_329 = vector.broadcast %and3A_328 : i32 to vector<16xi32>
      %and3A_330 = arith.andi %gather3A_323, %and3A_329 : vector<16xi32>
      %bitcast3A_331 = vector.bitcast %and3A_330 : vector<16xi32> to vector<16xf32>
      %gather3A_332 = tpu.vector_load_idx %arg12[%add3A_28, %broadcast_in_dim3A_322] : memref<512x16xi32, #tpu.memory_space<vmem>>[vector<16xi32>, vector<16xi32>], vector<16xi32>,
      %shift_left3A_333 = arith.constant 16 : i32
      %shift_left3A_334 = vector.broadcast %shift_left3A_333 : i32 to vector<16xi32>
      %shift_left3A_335 = arith.shli %gather3A_332, %shift_left3A_334 : vector<16xi32>
      %bitcast3A_336 = vector.bitcast %shift_left3A_335 : vector<16xi32> to vector<16xf32>
      %and3A_337 = arith.constant -65536 : i32
      %and3A_338 = vector.broadcast %and3A_337 : i32 to vector<16xi32>
      %and3A_339 = arith.andi %gather3A_332, %and3A_338 : vector<16xi32>
      %bitcast3A_340 = vector.bitcast %and3A_339 : vector<16xi32> to vector<16xf32>
      %gather3A_341 = tpu.vector_load_idx %arg13[%add3A_28, %broadcast_in_dim3A_322] : memref<512x16xi32, #tpu.memory_space<vmem>>[vector<16xi32>, vector<16xi32>], vector<16xi32>,
      %shift_left3A_342 = arith.constant 16 : i32
      %shift_left3A_343 = vector.broadcast %shift_left3A_342 : i32 to vector<16xi32>
      %shift_left3A_344 = arith.shli %gather3A_341, %shift_left3A_343 : vector<16xi32>
      %bitcast3A_345 = vector.bitcast %shift_left3A_344 : vector<16xi32> to vector<16xf32>
      %and3A_346 = arith.constant -65536 : i32
      %and3A_347 = vector.broadcast %and3A_346 : i32 to vector<16xi32>
      %and3A_348 = arith.andi %gather3A_341, %and3A_347 : vector<16xi32>
      %bitcast3A_349 = vector.bitcast %and3A_348 : vector<16xi32> to vector<16xf32>
      %add3A_350 = arith.addf %bitcast3A_327, %bitcast3A_336 : vector<16xf32>
      %sub3A_351 = arith.subf %add3A_350, %bitcast3A_345 : vector<16xf32>
      %add3A_352 = arith.addf %bitcast3A_331, %bitcast3A_340 : vector<16xf32>
      %sub3A_353 = arith.subf %add3A_352, %bitcast3A_349 : vector<16xf32>
      %mul3A_354 = arith.mulf %sub3A_351, %sub3A_351 : vector<16xf32>
      %add3A_355 = arith.addf %add3A_320, %mul3A_354 : vector<16xf32>
      %mul3A_356 = arith.mulf %sub3A_353, %sub3A_353 : vector<16xf32>
      %add3A_357 = arith.addf %add3A_355, %mul3A_356 : vector<16xf32>
      %broadcast_in_dim3A_358 = arith.constant 9 : i32
      %broadcast_in_dim3A_359 = vector.broadcast %broadcast_in_dim3A_358 : i32 to vector<16xi32>
      %gather3A_360 = tpu.vector_load_idx %arg11[%add3A_28, %broadcast_in_dim3A_359] : memref<512x16xi32, #tpu.memory_space<vmem>>[vector<16xi32>, vector<16xi32>], vector<16xi32>,
      %shift_left3A_361 = arith.constant 16 : i32
      %shift_left3A_362 = vector.broadcast %shift_left3A_361 : i32 to vector<16xi32>
      %shift_left3A_363 = arith.shli %gather3A_360, %shift_left3A_362 : vector<16xi32>
      %bitcast3A_364 = vector.bitcast %shift_left3A_363 : vector<16xi32> to vector<16xf32>
      %and3A_365 = arith.constant -65536 : i32
      %and3A_366 = vector.broadcast %and3A_365 : i32 to vector<16xi32>
      %and3A_367 = arith.andi %gather3A_360, %and3A_366 : vector<16xi32>
      %bitcast3A_368 = vector.bitcast %and3A_367 : vector<16xi32> to vector<16xf32>
      %gather3A_369 = tpu.vector_load_idx %arg12[%add3A_28, %broadcast_in_dim3A_359] : memref<512x16xi32, #tpu.memory_space<vmem>>[vector<16xi32>, vector<16xi32>], vector<16xi32>,
      %shift_left3A_370 = arith.constant 16 : i32
      %shift_left3A_371 = vector.broadcast %shift_left3A_370 : i32 to vector<16xi32>
      %shift_left3A_372 = arith.shli %gather3A_369, %shift_left3A_371 : vector<16xi32>
      %bitcast3A_373 = vector.bitcast %shift_left3A_372 : vector<16xi32> to vector<16xf32>
      %and3A_374 = arith.constant -65536 : i32
      %and3A_375 = vector.broadcast %and3A_374 : i32 to vector<16xi32>
      %and3A_376 = arith.andi %gather3A_369, %and3A_375 : vector<16xi32>
      %bitcast3A_377 = vector.bitcast %and3A_376 : vector<16xi32> to vector<16xf32>
      %gather3A_378 = tpu.vector_load_idx %arg13[%add3A_28, %broadcast_in_dim3A_359] : memref<512x16xi32, #tpu.memory_space<vmem>>[vector<16xi32>, vector<16xi32>], vector<16xi32>,
      %shift_left3A_379 = arith.constant 16 : i32
      %shift_left3A_380 = vector.broadcast %shift_left3A_379 : i32 to vector<16xi32>
      %shift_left3A_381 = arith.shli %gather3A_378, %shift_left3A_380 : vector<16xi32>
      %bitcast3A_382 = vector.bitcast %shift_left3A_381 : vector<16xi32> to vector<16xf32>
      %and3A_383 = arith.constant -65536 : i32
      %and3A_384 = vector.broadcast %and3A_383 : i32 to vector<16xi32>
      %and3A_385 = arith.andi %gather3A_378, %and3A_384 : vector<16xi32>
      %bitcast3A_386 = vector.bitcast %and3A_385 : vector<16xi32> to vector<16xf32>
      %add3A_387 = arith.addf %bitcast3A_364, %bitcast3A_373 : vector<16xf32>
      %sub3A_388 = arith.subf %add3A_387, %bitcast3A_382 : vector<16xf32>
      %add3A_389 = arith.addf %bitcast3A_368, %bitcast3A_377 : vector<16xf32>
      %sub3A_390 = arith.subf %add3A_389, %bitcast3A_386 : vector<16xf32>
      %mul3A_391 = arith.mulf %sub3A_388, %sub3A_388 : vector<16xf32>
      %add3A_392 = arith.addf %add3A_357, %mul3A_391 : vector<16xf32>
      %mul3A_393 = arith.mulf %sub3A_390, %sub3A_390 : vector<16xf32>
      %add3A_394 = arith.addf %add3A_392, %mul3A_393 : vector<16xf32>
      %broadcast_in_dim3A_395 = arith.constant 10 : i32
      %broadcast_in_dim3A_396 = vector.broadcast %broadcast_in_dim3A_395 : i32 to vector<16xi32>
      %gather3A_397 = tpu.vector_load_idx %arg11[%add3A_28, %broadcast_in_dim3A_396] : memref<512x16xi32, #tpu.memory_space<vmem>>[vector<16xi32>, vector<16xi32>], vector<16xi32>,
      %shift_left3A_398 = arith.constant 16 : i32
      %shift_left3A_399 = vector.broadcast %shift_left3A_398 : i32 to vector<16xi32>
      %shift_left3A_400 = arith.shli %gather3A_397, %shift_left3A_399 : vector<16xi32>
      %bitcast3A_401 = vector.bitcast %shift_left3A_400 : vector<16xi32> to vector<16xf32>
      %and3A_402 = arith.constant -65536 : i32
      %and3A_403 = vector.broadcast %and3A_402 : i32 to vector<16xi32>
      %and3A_404 = arith.andi %gather3A_397, %and3A_403 : vector<16xi32>
      %bitcast3A_405 = vector.bitcast %and3A_404 : vector<16xi32> to vector<16xf32>
      %gather3A_406 = tpu.vector_load_idx %arg12[%add3A_28, %broadcast_in_dim3A_396] : memref<512x16xi32, #tpu.memory_space<vmem>>[vector<16xi32>, vector<16xi32>], vector<16xi32>,
      %shift_left3A_407 = arith.constant 16 : i32
      %shift_left3A_408 = vector.broadcast %shift_left3A_407 : i32 to vector<16xi32>
      %shift_left3A_409 = arith.shli %gather3A_406, %shift_left3A_408 : vector<16xi32>
      %bitcast3A_410 = vector.bitcast %shift_left3A_409 : vector<16xi32> to vector<16xf32>
      %and3A_411 = arith.constant -65536 : i32
      %and3A_412 = vector.broadcast %and3A_411 : i32 to vector<16xi32>
      %and3A_413 = arith.andi %gather3A_406, %and3A_412 : vector<16xi32>
      %bitcast3A_414 = vector.bitcast %and3A_413 : vector<16xi32> to vector<16xf32>
      %gather3A_415 = tpu.vector_load_idx %arg13[%add3A_28, %broadcast_in_dim3A_396] : memref<512x16xi32, #tpu.memory_space<vmem>>[vector<16xi32>, vector<16xi32>], vector<16xi32>,
      %shift_left3A_416 = arith.constant 16 : i32
      %shift_left3A_417 = vector.broadcast %shift_left3A_416 : i32 to vector<16xi32>
      %shift_left3A_418 = arith.shli %gather3A_415, %shift_left3A_417 : vector<16xi32>
      %bitcast3A_419 = vector.bitcast %shift_left3A_418 : vector<16xi32> to vector<16xf32>
      %and3A_420 = arith.constant -65536 : i32
      %and3A_421 = vector.broadcast %and3A_420 : i32 to vector<16xi32>
      %and3A_422 = arith.andi %gather3A_415, %and3A_421 : vector<16xi32>
      %bitcast3A_423 = vector.bitcast %and3A_422 : vector<16xi32> to vector<16xf32>
      %add3A_424 = arith.addf %bitcast3A_401, %bitcast3A_410 : vector<16xf32>
      %sub3A_425 = arith.subf %add3A_424, %bitcast3A_419 : vector<16xf32>
      %add3A_426 = arith.addf %bitcast3A_405, %bitcast3A_414 : vector<16xf32>
      %sub3A_427 = arith.subf %add3A_426, %bitcast3A_423 : vector<16xf32>
      %mul3A_428 = arith.mulf %sub3A_425, %sub3A_425 : vector<16xf32>
      %add3A_429 = arith.addf %add3A_394, %mul3A_428 : vector<16xf32>
      %mul3A_430 = arith.mulf %sub3A_427, %sub3A_427 : vector<16xf32>
      %add3A_431 = arith.addf %add3A_429, %mul3A_430 : vector<16xf32>
      %broadcast_in_dim3A_432 = arith.constant 11 : i32
      %broadcast_in_dim3A_433 = vector.broadcast %broadcast_in_dim3A_432 : i32 to vector<16xi32>
      %gather3A_434 = tpu.vector_load_idx %arg11[%add3A_28, %broadcast_in_dim3A_433] : memref<512x16xi32, #tpu.memory_space<vmem>>[vector<16xi32>, vector<16xi32>], vector<16xi32>,
      %shift_left3A_435 = arith.constant 16 : i32
      %shift_left3A_436 = vector.broadcast %shift_left3A_435 : i32 to vector<16xi32>
      %shift_left3A_437 = arith.shli %gather3A_434, %shift_left3A_436 : vector<16xi32>
      %bitcast3A_438 = vector.bitcast %shift_left3A_437 : vector<16xi32> to vector<16xf32>
      %and3A_439 = arith.constant -65536 : i32
      %and3A_440 = vector.broadcast %and3A_439 : i32 to vector<16xi32>
      %and3A_441 = arith.andi %gather3A_434, %and3A_440 : vector<16xi32>
      %bitcast3A_442 = vector.bitcast %and3A_441 : vector<16xi32> to vector<16xf32>
      %gather3A_443 = tpu.vector_load_idx %arg12[%add3A_28, %broadcast_in_dim3A_433] : memref<512x16xi32, #tpu.memory_space<vmem>>[vector<16xi32>, vector<16xi32>], vector<16xi32>,
      %shift_left3A_444 = arith.constant 16 : i32
      %shift_left3A_445 = vector.broadcast %shift_left3A_444 : i32 to vector<16xi32>
      %shift_left3A_446 = arith.shli %gather3A_443, %shift_left3A_445 : vector<16xi32>
      %bitcast3A_447 = vector.bitcast %shift_left3A_446 : vector<16xi32> to vector<16xf32>
      %and3A_448 = arith.constant -65536 : i32
      %and3A_449 = vector.broadcast %and3A_448 : i32 to vector<16xi32>
      %and3A_450 = arith.andi %gather3A_443, %and3A_449 : vector<16xi32>
      %bitcast3A_451 = vector.bitcast %and3A_450 : vector<16xi32> to vector<16xf32>
      %gather3A_452 = tpu.vector_load_idx %arg13[%add3A_28, %broadcast_in_dim3A_433] : memref<512x16xi32, #tpu.memory_space<vmem>>[vector<16xi32>, vector<16xi32>], vector<16xi32>,
      %shift_left3A_453 = arith.constant 16 : i32
      %shift_left3A_454 = vector.broadcast %shift_left3A_453 : i32 to vector<16xi32>
      %shift_left3A_455 = arith.shli %gather3A_452, %shift_left3A_454 : vector<16xi32>
      %bitcast3A_456 = vector.bitcast %shift_left3A_455 : vector<16xi32> to vector<16xf32>
      %and3A_457 = arith.constant -65536 : i32
      %and3A_458 = vector.broadcast %and3A_457 : i32 to vector<16xi32>
      %and3A_459 = arith.andi %gather3A_452, %and3A_458 : vector<16xi32>
      %bitcast3A_460 = vector.bitcast %and3A_459 : vector<16xi32> to vector<16xf32>
      %add3A_461 = arith.addf %bitcast3A_438, %bitcast3A_447 : vector<16xf32>
      %sub3A_462 = arith.subf %add3A_461, %bitcast3A_456 : vector<16xf32>
      %add3A_463 = arith.addf %bitcast3A_442, %bitcast3A_451 : vector<16xf32>
      %sub3A_464 = arith.subf %add3A_463, %bitcast3A_460 : vector<16xf32>
      %mul3A_465 = arith.mulf %sub3A_462, %sub3A_462 : vector<16xf32>
      %add3A_466 = arith.addf %add3A_431, %mul3A_465 : vector<16xf32>
      %mul3A_467 = arith.mulf %sub3A_464, %sub3A_464 : vector<16xf32>
      %add3A_468 = arith.addf %add3A_466, %mul3A_467 : vector<16xf32>
      %broadcast_in_dim3A_469 = arith.constant 12 : i32
      %broadcast_in_dim3A_470 = vector.broadcast %broadcast_in_dim3A_469 : i32 to vector<16xi32>
      %gather3A_471 = tpu.vector_load_idx %arg11[%add3A_28, %broadcast_in_dim3A_470] : memref<512x16xi32, #tpu.memory_space<vmem>>[vector<16xi32>, vector<16xi32>], vector<16xi32>,
      %shift_left3A_472 = arith.constant 16 : i32
      %shift_left3A_473 = vector.broadcast %shift_left3A_472 : i32 to vector<16xi32>
      %shift_left3A_474 = arith.shli %gather3A_471, %shift_left3A_473 : vector<16xi32>
      %bitcast3A_475 = vector.bitcast %shift_left3A_474 : vector<16xi32> to vector<16xf32>
      %and3A_476 = arith.constant -65536 : i32
      %and3A_477 = vector.broadcast %and3A_476 : i32 to vector<16xi32>
      %and3A_478 = arith.andi %gather3A_471, %and3A_477 : vector<16xi32>
      %bitcast3A_479 = vector.bitcast %and3A_478 : vector<16xi32> to vector<16xf32>
      %gather3A_480 = tpu.vector_load_idx %arg12[%add3A_28, %broadcast_in_dim3A_470] : memref<512x16xi32, #tpu.memory_space<vmem>>[vector<16xi32>, vector<16xi32>], vector<16xi32>,
      %shift_left3A_481 = arith.constant 16 : i32
      %shift_left3A_482 = vector.broadcast %shift_left3A_481 : i32 to vector<16xi32>
      %shift_left3A_483 = arith.shli %gather3A_480, %shift_left3A_482 : vector<16xi32>
      %bitcast3A_484 = vector.bitcast %shift_left3A_483 : vector<16xi32> to vector<16xf32>
      %and3A_485 = arith.constant -65536 : i32
      %and3A_486 = vector.broadcast %and3A_485 : i32 to vector<16xi32>
      %and3A_487 = arith.andi %gather3A_480, %and3A_486 : vector<16xi32>
      %bitcast3A_488 = vector.bitcast %and3A_487 : vector<16xi32> to vector<16xf32>
      %gather3A_489 = tpu.vector_load_idx %arg13[%add3A_28, %broadcast_in_dim3A_470] : memref<512x16xi32, #tpu.memory_space<vmem>>[vector<16xi32>, vector<16xi32>], vector<16xi32>,
      %shift_left3A_490 = arith.constant 16 : i32
      %shift_left3A_491 = vector.broadcast %shift_left3A_490 : i32 to vector<16xi32>
      %shift_left3A_492 = arith.shli %gather3A_489, %shift_left3A_491 : vector<16xi32>
      %bitcast3A_493 = vector.bitcast %shift_left3A_492 : vector<16xi32> to vector<16xf32>
      %and3A_494 = arith.constant -65536 : i32
      %and3A_495 = vector.broadcast %and3A_494 : i32 to vector<16xi32>
      %and3A_496 = arith.andi %gather3A_489, %and3A_495 : vector<16xi32>
      %bitcast3A_497 = vector.bitcast %and3A_496 : vector<16xi32> to vector<16xf32>
      %add3A_498 = arith.addf %bitcast3A_475, %bitcast3A_484 : vector<16xf32>
      %sub3A_499 = arith.subf %add3A_498, %bitcast3A_493 : vector<16xf32>
      %add3A_500 = arith.addf %bitcast3A_479, %bitcast3A_488 : vector<16xf32>
      %sub3A_501 = arith.subf %add3A_500, %bitcast3A_497 : vector<16xf32>
      %mul3A_502 = arith.mulf %sub3A_499, %sub3A_499 : vector<16xf32>
      %add3A_503 = arith.addf %add3A_468, %mul3A_502 : vector<16xf32>
      %mul3A_504 = arith.mulf %sub3A_501, %sub3A_501 : vector<16xf32>
      %add3A_505 = arith.addf %add3A_503, %mul3A_504 : vector<16xf32>
      %broadcast_in_dim3A_506 = arith.constant 13 : i32
      %broadcast_in_dim3A_507 = vector.broadcast %broadcast_in_dim3A_506 : i32 to vector<16xi32>
      %gather3A_508 = tpu.vector_load_idx %arg11[%add3A_28, %broadcast_in_dim3A_507] : memref<512x16xi32, #tpu.memory_space<vmem>>[vector<16xi32>, vector<16xi32>], vector<16xi32>,
      %shift_left3A_509 = arith.constant 16 : i32
      %shift_left3A_510 = vector.broadcast %shift_left3A_509 : i32 to vector<16xi32>
      %shift_left3A_511 = arith.shli %gather3A_508, %shift_left3A_510 : vector<16xi32>
      %bitcast3A_512 = vector.bitcast %shift_left3A_511 : vector<16xi32> to vector<16xf32>
      %and3A_513 = arith.constant -65536 : i32
      %and3A_514 = vector.broadcast %and3A_513 : i32 to vector<16xi32>
      %and3A_515 = arith.andi %gather3A_508, %and3A_514 : vector<16xi32>
      %bitcast3A_516 = vector.bitcast %and3A_515 : vector<16xi32> to vector<16xf32>
      %gather3A_517 = tpu.vector_load_idx %arg12[%add3A_28, %broadcast_in_dim3A_507] : memref<512x16xi32, #tpu.memory_space<vmem>>[vector<16xi32>, vector<16xi32>], vector<16xi32>,
      %shift_left3A_518 = arith.constant 16 : i32
      %shift_left3A_519 = vector.broadcast %shift_left3A_518 : i32 to vector<16xi32>
      %shift_left3A_520 = arith.shli %gather3A_517, %shift_left3A_519 : vector<16xi32>
      %bitcast3A_521 = vector.bitcast %shift_left3A_520 : vector<16xi32> to vector<16xf32>
      %and3A_522 = arith.constant -65536 : i32
      %and3A_523 = vector.broadcast %and3A_522 : i32 to vector<16xi32>
      %and3A_524 = arith.andi %gather3A_517, %and3A_523 : vector<16xi32>
      %bitcast3A_525 = vector.bitcast %and3A_524 : vector<16xi32> to vector<16xf32>
      %gather3A_526 = tpu.vector_load_idx %arg13[%add3A_28, %broadcast_in_dim3A_507] : memref<512x16xi32, #tpu.memory_space<vmem>>[vector<16xi32>, vector<16xi32>], vector<16xi32>,
      %shift_left3A_527 = arith.constant 16 : i32
      %shift_left3A_528 = vector.broadcast %shift_left3A_527 : i32 to vector<16xi32>
      %shift_left3A_529 = arith.shli %gather3A_526, %shift_left3A_528 : vector<16xi32>
      %bitcast3A_530 = vector.bitcast %shift_left3A_529 : vector<16xi32> to vector<16xf32>
      %and3A_531 = arith.constant -65536 : i32
      %and3A_532 = vector.broadcast %and3A_531 : i32 to vector<16xi32>
      %and3A_533 = arith.andi %gather3A_526, %and3A_532 : vector<16xi32>
      %bitcast3A_534 = vector.bitcast %and3A_533 : vector<16xi32> to vector<16xf32>
      %add3A_535 = arith.addf %bitcast3A_512, %bitcast3A_521 : vector<16xf32>
      %sub3A_536 = arith.subf %add3A_535, %bitcast3A_530 : vector<16xf32>
      %add3A_537 = arith.addf %bitcast3A_516, %bitcast3A_525 : vector<16xf32>
      %sub3A_538 = arith.subf %add3A_537, %bitcast3A_534 : vector<16xf32>
      %mul3A_539 = arith.mulf %sub3A_536, %sub3A_536 : vector<16xf32>
      %add3A_540 = arith.addf %add3A_505, %mul3A_539 : vector<16xf32>
      %mul3A_541 = arith.mulf %sub3A_538, %sub3A_538 : vector<16xf32>
      %add3A_542 = arith.addf %add3A_540, %mul3A_541 : vector<16xf32>
      %broadcast_in_dim3A_543 = arith.constant 14 : i32
      %broadcast_in_dim3A_544 = vector.broadcast %broadcast_in_dim3A_543 : i32 to vector<16xi32>
      %gather3A_545 = tpu.vector_load_idx %arg11[%add3A_28, %broadcast_in_dim3A_544] : memref<512x16xi32, #tpu.memory_space<vmem>>[vector<16xi32>, vector<16xi32>], vector<16xi32>,
      %shift_left3A_546 = arith.constant 16 : i32
      %shift_left3A_547 = vector.broadcast %shift_left3A_546 : i32 to vector<16xi32>
      %shift_left3A_548 = arith.shli %gather3A_545, %shift_left3A_547 : vector<16xi32>
      %bitcast3A_549 = vector.bitcast %shift_left3A_548 : vector<16xi32> to vector<16xf32>
      %and3A_550 = arith.constant -65536 : i32
      %and3A_551 = vector.broadcast %and3A_550 : i32 to vector<16xi32>
      %and3A_552 = arith.andi %gather3A_545, %and3A_551 : vector<16xi32>
      %bitcast3A_553 = vector.bitcast %and3A_552 : vector<16xi32> to vector<16xf32>
      %gather3A_554 = tpu.vector_load_idx %arg12[%add3A_28, %broadcast_in_dim3A_544] : memref<512x16xi32, #tpu.memory_space<vmem>>[vector<16xi32>, vector<16xi32>], vector<16xi32>,
      %shift_left3A_555 = arith.constant 16 : i32
      %shift_left3A_556 = vector.broadcast %shift_left3A_555 : i32 to vector<16xi32>
      %shift_left3A_557 = arith.shli %gather3A_554, %shift_left3A_556 : vector<16xi32>
      %bitcast3A_558 = vector.bitcast %shift_left3A_557 : vector<16xi32> to vector<16xf32>
      %and3A_559 = arith.constant -65536 : i32
      %and3A_560 = vector.broadcast %and3A_559 : i32 to vector<16xi32>
      %and3A_561 = arith.andi %gather3A_554, %and3A_560 : vector<16xi32>
      %bitcast3A_562 = vector.bitcast %and3A_561 : vector<16xi32> to vector<16xf32>
      %gather3A_563 = tpu.vector_load_idx %arg13[%add3A_28, %broadcast_in_dim3A_544] : memref<512x16xi32, #tpu.memory_space<vmem>>[vector<16xi32>, vector<16xi32>], vector<16xi32>,
      %shift_left3A_564 = arith.constant 16 : i32
      %shift_left3A_565 = vector.broadcast %shift_left3A_564 : i32 to vector<16xi32>
      %shift_left3A_566 = arith.shli %gather3A_563, %shift_left3A_565 : vector<16xi32>
      %bitcast3A_567 = vector.bitcast %shift_left3A_566 : vector<16xi32> to vector<16xf32>
      %and3A_568 = arith.constant -65536 : i32
      %and3A_569 = vector.broadcast %and3A_568 : i32 to vector<16xi32>
      %and3A_570 = arith.andi %gather3A_563, %and3A_569 : vector<16xi32>
      %bitcast3A_571 = vector.bitcast %and3A_570 : vector<16xi32> to vector<16xf32>
      %add3A_572 = arith.addf %bitcast3A_549, %bitcast3A_558 : vector<16xf32>
      %sub3A_573 = arith.subf %add3A_572, %bitcast3A_567 : vector<16xf32>
      %add3A_574 = arith.addf %bitcast3A_553, %bitcast3A_562 : vector<16xf32>
      %sub3A_575 = arith.subf %add3A_574, %bitcast3A_571 : vector<16xf32>
      %mul3A_576 = arith.mulf %sub3A_573, %sub3A_573 : vector<16xf32>
      %add3A_577 = arith.addf %add3A_542, %mul3A_576 : vector<16xf32>
      %mul3A_578 = arith.mulf %sub3A_575, %sub3A_575 : vector<16xf32>
      %add3A_579 = arith.addf %add3A_577, %mul3A_578 : vector<16xf32>
      %broadcast_in_dim3A_580 = arith.constant 15 : i32
      %broadcast_in_dim3A_581 = vector.broadcast %broadcast_in_dim3A_580 : i32 to vector<16xi32>
      %gather3A_582 = tpu.vector_load_idx %arg11[%add3A_28, %broadcast_in_dim3A_581] : memref<512x16xi32, #tpu.memory_space<vmem>>[vector<16xi32>, vector<16xi32>], vector<16xi32>,
      %shift_left3A_583 = arith.constant 16 : i32
      %shift_left3A_584 = vector.broadcast %shift_left3A_583 : i32 to vector<16xi32>
      %shift_left3A_585 = arith.shli %gather3A_582, %shift_left3A_584 : vector<16xi32>
      %bitcast3A_586 = vector.bitcast %shift_left3A_585 : vector<16xi32> to vector<16xf32>
      %and3A_587 = arith.constant -65536 : i32
      %and3A_588 = vector.broadcast %and3A_587 : i32 to vector<16xi32>
      %and3A_589 = arith.andi %gather3A_582, %and3A_588 : vector<16xi32>
      %bitcast3A_590 = vector.bitcast %and3A_589 : vector<16xi32> to vector<16xf32>
      %gather3A_591 = tpu.vector_load_idx %arg12[%add3A_28, %broadcast_in_dim3A_581] : memref<512x16xi32, #tpu.memory_space<vmem>>[vector<16xi32>, vector<16xi32>], vector<16xi32>,
      %shift_left3A_592 = arith.constant 16 : i32
      %shift_left3A_593 = vector.broadcast %shift_left3A_592 : i32 to vector<16xi32>
      %shift_left3A_594 = arith.shli %gather3A_591, %shift_left3A_593 : vector<16xi32>
      %bitcast3A_595 = vector.bitcast %shift_left3A_594 : vector<16xi32> to vector<16xf32>
      %and3A_596 = arith.constant -65536 : i32
      %and3A_597 = vector.broadcast %and3A_596 : i32 to vector<16xi32>
      %and3A_598 = arith.andi %gather3A_591, %and3A_597 : vector<16xi32>
      %bitcast3A_599 = vector.bitcast %and3A_598 : vector<16xi32> to vector<16xf32>
      %gather3A_600 = tpu.vector_load_idx %arg13[%add3A_28, %broadcast_in_dim3A_581] : memref<512x16xi32, #tpu.memory_space<vmem>>[vector<16xi32>, vector<16xi32>], vector<16xi32>,
      %shift_left3A_601 = arith.constant 16 : i32
      %shift_left3A_602 = vector.broadcast %shift_left3A_601 : i32 to vector<16xi32>
      %shift_left3A_603 = arith.shli %gather3A_600, %shift_left3A_602 : vector<16xi32>
      %bitcast3A_604 = vector.bitcast %shift_left3A_603 : vector<16xi32> to vector<16xf32>
      %and3A_605 = arith.constant -65536 : i32
      %and3A_606 = vector.broadcast %and3A_605 : i32 to vector<16xi32>
      %and3A_607 = arith.andi %gather3A_600, %and3A_606 : vector<16xi32>
      %bitcast3A_608 = vector.bitcast %and3A_607 : vector<16xi32> to vector<16xf32>
      %add3A_609 = arith.addf %bitcast3A_586, %bitcast3A_595 : vector<16xf32>
      %sub3A_610 = arith.subf %add3A_609, %bitcast3A_604 : vector<16xf32>
      %add3A_611 = arith.addf %bitcast3A_590, %bitcast3A_599 : vector<16xf32>
      %sub3A_612 = arith.subf %add3A_611, %bitcast3A_608 : vector<16xf32>
      %mul3A_613 = arith.mulf %sub3A_610, %sub3A_610 : vector<16xf32>
      %add3A_614 = arith.addf %add3A_579, %mul3A_613 : vector<16xf32>
      %mul3A_615 = arith.mulf %sub3A_612, %sub3A_612 : vector<16xf32>
      %add3A_616 = arith.addf %add3A_614, %mul3A_615 : vector<16xf32>
      %max3A = arith.constant 1.000000e-30 : f32
      %max3A_617 = vector.broadcast %max3A : f32 to vector<16xf32>
      %max3A_618 = arith.maximumf %add3A_616, %max3A_617 : vector<16xf32>
      %bitcast3A_619 = vector.bitcast %max3A_618 : vector<16xf32> to vector<16xi32>
      %shift_right_logical3A = arith.constant 1 : i32
      %shift_right_logical3A_620 = vector.broadcast %shift_right_logical3A : i32 to vector<16xi32>
      %shift_right_logical3A_621 = arith.shrui %bitcast3A_619, %shift_right_logical3A_620 : vector<16xi32>
      %sub3A_622 = arith.constant 1597463007 : i32
      %sub3A_623 = vector.broadcast %sub3A_622 : i32 to vector<16xi32>
      %sub3A_624 = arith.subi %sub3A_623, %shift_right_logical3A_621 : vector<16xi32>
      %bitcast3A_625 = vector.bitcast %sub3A_624 : vector<16xi32> to vector<16xf32>
      %mul3A_626 = arith.constant 5.000000e-01 : f32
      %mul3A_627 = vector.broadcast %mul3A_626 : f32 to vector<16xf32>
      %mul3A_628 = arith.mulf %mul3A_627, %max3A_618 : vector<16xf32>
      %mul3A_629 = arith.mulf %mul3A_628, %bitcast3A_625 : vector<16xf32>
      %mul3A_630 = arith.mulf %mul3A_629, %bitcast3A_625 : vector<16xf32>
      %sub3A_631 = arith.constant 1.500000e+00 : f32
      %sub3A_632 = vector.broadcast %sub3A_631 : f32 to vector<16xf32>
      %sub3A_633 = arith.subf %sub3A_632, %mul3A_630 : vector<16xf32>
      %mul3A_634 = arith.mulf %bitcast3A_625, %sub3A_633 : vector<16xf32>
      %mul3A_635 = arith.mulf %mul3A_628, %mul3A_634 : vector<16xf32>
      %mul3A_636 = arith.mulf %mul3A_635, %mul3A_634 : vector<16xf32>
      %sub3A_637 = arith.constant 1.500000e+00 : f32
      %sub3A_638 = vector.broadcast %sub3A_637 : f32 to vector<16xf32>
      %sub3A_639 = arith.subf %sub3A_638, %mul3A_636 : vector<16xf32>
      %mul3A_640 = arith.mulf %mul3A_634, %sub3A_639 : vector<16xf32>
      %mul3A_641 = arith.mulf %mul3A_628, %mul3A_640 : vector<16xf32>
      %mul3A_642 = arith.mulf %mul3A_641, %mul3A_640 : vector<16xf32>
      %sub3A_643 = arith.constant 1.500000e+00 : f32
      %sub3A_644 = vector.broadcast %sub3A_643 : f32 to vector<16xf32>
      %sub3A_645 = arith.subf %sub3A_644, %mul3A_642 : vector<16xf32>
      %mul3A_646 = arith.mulf %mul3A_640, %sub3A_645 : vector<16xf32>
      %mul3A_647 = arith.mulf %add3A_616, %mul3A_646 : vector<16xf32>
      %neg3A = arith.constant 0.000000e+00 : f32
      %neg3A_648 = vector.broadcast %neg3A : f32 to vector<16xf32>
      %neg3A_649 = arith.subf %neg3A_648, %mul3A_647 : vector<16xf32>
      %mul3A_650 = arith.constant 16 : i32
      %mul3A_651 = arith.muli %scan3A_24, %mul3A_650 : i32
      %swap3A = arith.index_cast %mul3A_651 : i32 to index
      %swap3A_652 = tpu.vector_load %arg14[%swap3A] {strides = array<i32>} : memref<512xf32, #tpu.memory_space<vmem>>, vector<16xf32>,
      tpu.vector_store %arg14[%swap3A], %neg3A_649 {strides = array<i32>} : memref<512xf32, #tpu.memory_space<vmem>>, vector<16xf32>,
    }
    %scan3A_23 = arith.constant 32 : i32
    "tpu.region"() ({
      %run_scoped3A = tpu.sem_alloc : memref<!tpu.dma_semaphore, #tpu.memory_space<semaphore_mem>>
      %dma_start3A_24 = tpu.memref_slice %arg7[%mul3A_2] : memref<16384xf32, #tpu.memory_space<hbm>> -> memref<512xf32, #tpu.memory_space<hbm>>
      %dma_start3A_25 = tpu.memref_slice %arg7[%mul3A_2] : memref<16384xf32, #tpu.memory_space<hbm>> -> memref<512xf32, #tpu.memory_space<hbm>>
      tpu.enqueue_dma source(%arg14 : memref<512xf32, #tpu.memory_space<vmem>>) target(%dma_start3A_25 : memref<512xf32, #tpu.memory_space<hbm>>) target_semaphore(%run_scoped3A : memref<!tpu.dma_semaphore, #tpu.memory_space<semaphore_mem>>)
      %dma_wait3A_26 = tpu.memref_slice %arg7[%mul3A_2] : memref<16384xf32, #tpu.memory_space<hbm>> -> memref<512xf32, #tpu.memory_space<hbm>>
      %dma_wait3A_27 = tpu.memref_slice %arg7[%mul3A_2] : memref<16384xf32, #tpu.memory_space<hbm>> -> memref<512xf32, #tpu.memory_space<hbm>>
      tpu.wait_dma2 semaphore(%run_scoped3A : memref<!tpu.dma_semaphore, #tpu.memory_space<semaphore_mem>>) src(%arg14 : memref<512xf32, #tpu.memory_space<vmem>>) dst(%dma_wait3A_27 : memref<512xf32, #tpu.memory_space<hbm>>)
      tpu.yield
    }) : () -> ()
    return
  }
}

</mosaic_0001>

<sc_bundles>
// kernel: kernel.3.cloned.1.call-start
scs
__scs_entry_jumppad:
0x0: {  	(pc) =	sbr.rel $0x88, $3  }
0x1: {  	(tag) =	ssettag $0x0;
	lr =	simm.s32 $0x1  }
0x2: {  	[smem:$0x3F9C] =	sst lr;
	_ =	strace $0xD0000000  }
0x3: {  	_ = 	snop  }
0x4: {  	_ = 	snop  }
0x5: {  	_ = 	snop  }
0x6: {  	_ = 	snop  }
0x7: {  	_ = 	snop  }
__scs_overlays_trampoline_lowered:
0x8: {  	[smem:$0x3FAB] =	sst s0  }
0x9: {  	[smem:$0x3FAC] =	sst s1  }
0xa: {  	[smem:$0x3FAD] =	sst s2  }
0xb: {  	[smem:$0x3FAE] =	sst s3  }
0xc: {  	[smem:$0x3FAF] =	sst s4  }
0xd: {  	[smem:$0x3FB0] =	sst s5  }
0xe: {  	[smem:$0x3FB1] =	sst s6  }
0xf: {  	[smem:$0x3FB2] =	sst s7  }
0x10: {  	[smem:$0x3FB3] =	sst s8  }
0x11: {  	[smem:$0x3FB4] =	sst s9;
	s0 =	simm.s32 @!p0 $0x0  }
0x12: {  	s1 =	sld [smem:$0x3F9A];
	s0 =	simm.s32 @p0 $0x1  }
0x13: {  	[smem:$0x3FB5] =	sst s0;
	s0 =	simm.s32 @!p1 $0x0  }
0x14: {  	s2 =	sld [smem:$0x3F99];
	s0 =	simm.s32 @p1 $0x1  }
0x15: {  	[smem:$0x3FB6] =	sst s0;
	s0 =	simm.s32 @!p2 $0x0  }
0x16: {  	s3 =	sld [smem:$0x3FDB];
	s0 =	simm.s32 @p2 $0x1  }
0x17: {  	s4 =	simm.s32 $0x1BF5;
	[smem:$0x3FB8] =	sst s0  }
0x18: {  	s0 =	sld [smem:$0x3F9B];
	_ =	swait.ge [sflag:s4], $0x0  }
0x19: {  	s7 =	sld [smem:$0x3F9C]  }
0x1a: {  	s8 =	sadd.s32 $0xFFFFE003, lr  }
0x1b: {  	s9 =	sadd.s32 $0xFFFFFEF7, lr;
	s5 =	simm.s32 $0xFFFFFFFF;
	p2 =	slt.u32 s8, $0xFFFFF086  }
0x1c: {  	p1 =	slt.u32 s9, $0xF7A;
	s5 =	simm.s32 @!p2 $0x0  }
0x1d: {  	s5 =	simm.s32 @p1 $0x1;
	p0 =	seq.s32 s7, s2  }
0x1e: {  	s7 =	smul.u32 @!p0 $0xF7A, s2;
	p2 =	seq.s32 @!p0 s5, $0x0  }
0x1f: {  	s9 =	smul.u32 $0xF7A, s1;
	s8 =	simm.s32 @!p0 $0x1BF5;
	p2 =	por !p2, p0  }
0x20: {  	[sflag:s8] =	ssyncset.s32 @!p0 $0xFFFFF086;
	s6 =	sadd.s32 @!p0 s3, s7;
	s7 =	simm.s32 @!p0 $0x108  }
0x21: {  	s3 =	sadd.s32 s3, s9;
	s6 =	sadd.s32 @!p0 $0x88, s6;
	s7 =	simm.s32 @p2 $0x1082  }
0x22: {  	[simem:s7], [sflag:s8] =	dma.local @!p0 [hbm:s6], $0xF7A  }
0x23: {  	s9 =	sor.u32 $0xD0000000, s2;
	s6 =	simm.s32 $0x108;
	_ =	swait.ge @!p0 [sflag:s8], $0x0  }
0x24: {  	s3 =	sadd.s32 $0x88, s3;
	s6 =	simm.s32 @!p1 $0x1082;
	[sflag:s4] =	ssyncset.s32 $0xFFFFF086  }
0x25: {  	[simem:s6], [sflag:s4] =	dma.local [hbm:s3], $0xF7A  }
0x26: {  	[smem:$0x3F9C] =	sst s1;
	(tag) =	ssettag s2;
	_ =	strace s9  }
0x27: {  	s1 =	sld [smem:$0x3FAC]  }
0x28: {  	s2 =	sld [smem:$0x3FAD]  }
0x29: {  	s4 =	sld [smem:$0x3FAF]  }
0x2a: {  	p0 =	seq.s32 s5, $0x0;
	s5 =	sld [smem:$0x3FB0]  }
0x2b: {  	s6 =	sld [smem:$0x3FB1]  }
0x2c: {  	s7 =	sld [smem:$0x3FB2]  }
0x2d: {  	s3 =	simm.s32 $0x108;
	s8 =	sld [smem:$0x3FB3]  }
0x2e: {  	s3 =	simm.s32 @!p0 $0x1082;
	s9 =	sld [smem:$0x3FB4]  }
0x2f: {  	lr =	sadd.s32 s0, s3;
	s0 =	sld [smem:$0x3FAB]  }
0x30: {  	s3 =	sld [smem:$0x3FAE]  }
0x31: {  	[smem:$0x3FB7] =	sst s10  }
0x32: {  	s10 =	sld [smem:$0x3FB5];
	_ =	sdelay $0x3  }
0x33: {  	p0 =	seq.s32 s10, $0x1;
	s10 =	sld [smem:$0x3FB7];
	_ =	sdelay $0x3  }
0x34: {  	[smem:$0x3FB7] =	sst s10  }
0x35: {  	s10 =	sld [smem:$0x3FB6];
	_ =	sdelay $0x3  }
0x36: {  	p1 =	seq.s32 s10, $0x1;
	s10 =	sld [smem:$0x3FB7];
	_ =	sdelay $0x3  }
0x37: {  	[smem:$0x3FB7] =	sst s10  }
0x38: {  	s10 =	sld [smem:$0x3FB8]  }
0x39: {  	_ = 	snop;
	(pc) =	sbr.ind lr, $3  }
0x3a: {  	_ = 	snop  }
0x3b: {  	_ = 	snop  }
0x3c: {  	p2 =	seq.s32 s10, $0x1;
	s10 =	sld [smem:$0x3FB7]  }
0x3d: {  	_ =	shalt  }
0x3e: {  	_ =	shalt  }
0x3f: {  	_ =	shalt  }
0x40: {  	_ =	shalt  }
0x41: {  	_ =	shalt  }
0x42: {  	_ =	shalt  }
0x43: {  	_ =	shalt  }
0x44: {  	_ =	shalt  }
0x45: {  	_ =	shalt  }
0x46: {  	_ =	shalt  }
0x47: {  	_ =	shalt  }
0x48: {  	_ =	shalt  }
0x49: {  	_ =	shalt  }
0x4a: {  	_ =	shalt  }
0x4b: {  	_ =	shalt  }
0x4c: {  	_ =	shalt  }
0x4d: {  	_ =	shalt  }
0x4e: {  	_ =	shalt  }
0x4f: {  	_ =	shalt  }
0x50: {  	_ =	shalt  }
0x51: {  	_ =	shalt  }
0x52: {  	_ =	shalt  }
0x53: {  	_ =	shalt  }
0x54: {  	_ =	shalt  }
0x55: {  	_ =	shalt  }
0x56: {  	_ =	shalt  }
0x57: {  	_ =	shalt  }
0x58: {  	_ =	shalt  }
0x59: {  	_ =	shalt  }
0x5a: {  	_ =	shalt  }
0x5b: {  	_ =	shalt  }
0x5c: {  	_ =	shalt  }
0x5d: {  	_ =	shalt  }
0x5e: {  	_ =	shalt  }
0x5f: {  	_ =	shalt  }
0x60: {  	_ =	shalt  }
0x61: {  	_ =	shalt  }
0x62: {  	_ =	shalt  }
0x63: {  	_ =	shalt  }
0x64: {  	_ =	shalt  }
0x65: {  	_ =	shalt  }
0x66: {  	_ =	shalt  }
0x67: {  	_ =	shalt  }
0x68: {  	_ =	shalt  }
0x69: {  	_ =	shalt  }
0x6a: {  	_ =	shalt  }
0x6b: {  	_ =	shalt  }
0x6c: {  	_ =	shalt  }
0x6d: {  	_ =	shalt  }
0x6e: {  	_ =	shalt  }
0x6f: {  	_ =	shalt  }
0x70: {  	_ =	shalt  }
0x71: {  	_ =	shalt  }
0x72: {  	_ =	shalt  }
0x73: {  	_ =	shalt  }
0x74: {  	_ =	shalt  }
0x75: {  	_ =	shalt  }
0x76: {  	_ =	shalt  }
0x77: {  	_ =	shalt  }
0x78: {  	_ =	shalt  }
0x79: {  	_ =	shalt  }
0x7a: {  	_ =	shalt  }
0x7b: {  	_ =	shalt  }
0x7c: {  	_ =	shalt  }
0x7d: {  	_ =	shalt  }
0x7e: {  	_ =	shalt  }
0x7f: {  	_ =	shalt  }
0x80: {  	_ =	shalt  }
0x81: {  	_ =	shalt  }
0x82: {  	_ =	shalt  }
0x83: {  	_ =	shalt  }
0x84: {  	_ =	shalt  }
0x85: {  	_ =	shalt  }
0x86: {  	_ =	shalt  }
0x87: {  	_ =	shalt  }
.Lfunc_end0:
.L_simem_size_0:
called_computation.1_lowered:
.L_overlay_start_0:
0x88: {  	s2 =	sld [smem:$0x3FD9]  }
0x89: {  	s3 =	sld [smem:$0x3FFE];
	_ =	sdelay $0x1  }
0x8a: {  	s1 =	srdreg.scid  }
0x8b: {  	s0 =	sand.u32 $0x1, s1  }
0x8c: {  	s17 =	sshll.u32 s0, $0xA;
	s2 =	sadd.s32 s3, s2  }
0x8d: {  	s2 =	sadd.s32 s2, s17  }
0x8e: {  	[smem:$0x3FC3] =	sst s2  }
0x8f: {  	_ = 	snop  }
0x90: {  	s2 =	sld [smem:$0x3FC9]  }
0x91: {  	s18 =	sld [smem:$0x3FC8]  }
0x92: {  	s4 =	sld [smem:$0x3FC7]  }
0x93: {  	s5 =	sld [smem:$0x3FD0];
	(tm) =	ssettm $0x1  }
0x94: {  	s6 =	sld [smem:$0x3FFB];
	_ =	sdelay $0x3  }
0x95: {  	_ =	strace s6  }
0x96: {  	s6 =	sld [smem:$0x3FFC];
	_ =	sdelay $0x3  }
0x97: {  	_ =	strace s6  }
0x98: {  	s6 =	sld [smem:$0x3FFD];
	_ =	sdelay $0x3  }
0x99: {  	_ =	strace s6  }
0x9a: {  	_ =	strace $0x8FFFFFFF  }
0x9b: {  	s19 =	sld [smem:$0x3FDB];
	_ =	sdelay $0x1  }
0x9c: {  	s7 =	simm.s32 $_scs_section_size  }
0x9d: {  	s8 =	simm.s32 $_size__tile_overlayer_lowered;
	s9 =	simm.s32 $_tile_overlayer_lowered  }
0x9e: {  	s22 =	simm.s32 $0x1BFF;
	s21 =	sshll.u32 s9, $0x1;
	s6 =	sadd.s32 s7, s19  }
0x9f: {  	s10 =	simm.s32 $0x0;
	s20 =	sshll.u32 s8, $0x1;
	s8 =	sadd.s32 s21, s6  }
0xa0: {  	[timem:s10], [sflag:s22] =	dma.local [hbm:s8], s20  }
0xa1: {  	_ =	swait.ge [sflag:s22], s20  }
0xa2: {  	s7 =	ssub.s32 $0x0, s20;
	[sflag:s22] =	ssyncset.done $0x0  }
0xa3: {  	[sflag:s22] =	ssyncadd.s32 s7;
	_ =	sdelay $0x1  }
0xa4: {  	s23 =	simm.s32 $0x1B8B  }
0xa5: {  	_ =	swait.ge [sflag:s23], $0x1  }
0xa6: {  	[sflag:s23] =	ssyncset.done $0x0  }
0xa7: {  	s25 =	simm.s32 $0x1B8E;
	s24 =	sld [smem:$0x3FFE];
	[sflag:s23] =	ssyncadd.s32 $0xFFFFFFFF  }
0xa8: {  	s26 =	simm.s32 $execute0_lowered;
	[smem:$0x3FD2] =	sst s25  }
0xa9: {  	s8 =	sshll.u32 s26, $0x1;
	_ =	strace $0x80000049;
	[dreg:$0x1] =	wrdreg $0xFFFFFFFF  }
0xaa: {  	s28 =	simm.s32 $_size_execute0_lowered;
	s6 =	sadd.s32 s6, s8;
	[dreg:$0x0] =	wrdreg $0x0  }
0xab: {  	s8 =	sshll.u32 s28, $0x1;
	[dreg:$0x2] =	wrdreg s6  }
0xac: {  	[dreg:$0x3] =	wrdreg s8  }
0xad: {  	[dreg:$0x4] =	wrdreg $0xC0  }
0xae: {  	_ =	task [dreg:s10], $0x5FFFF  }
0xaf: {  	[dreg:$0x1] =	wrdreg $0xFFFFFFFF  }
0xb0: {  	[dreg:$0x0] =	wrdreg $0x60  }
0xb1: {  	[dreg:$0x2] =	wrdreg s2  }
0xb2: {  	[dreg:$0x3] =	wrdreg s18  }
0xb3: {  	[dreg:$0x4] =	wrdreg s4  }
0xb4: {  	[dreg:$0x5] =	wrdreg s24  }
0xb5: {  	[dreg:$0x6] =	wrdreg s5  }
0xb6: {  	[dreg:$0x7] =	wrdreg $0x9  }
0xb7: {  	_ =	task.clear_ibuf [dreg:s10], $0x8FFFF;
	_ =	strace $0x90000049  }
0xb8: {  	s29 =	simm.s32 $0x9;
	_ =	strace $0x8000004B  }
0xb9: {  	_ =	swait.ge [sflag:s29], $0x1  }
0xba: {  	[sflag:s29] =	ssyncadd.s32 $0xFFFFFFFF  }
0xbb: {  	_ =	strace $0x9000004B  }
0xbc: {  	_ =	sfence  }
0xbd: {  	s30 =	sld [smem:$0x0];
	_ =	sdelay $0x2  }
0xbe: {  	s31 =	sshll.u32 s1, $0xD;
	s1 =	sshrl.u32 s1, $0x2  }
0xbf: {  	s3 =	sand.u32 $0x4000, s31;
	s1 =	sadd.s32 s1, s30  }
0xc0: {  	s0 =	sor.u32 s3, s0;
	s1 =	sshll.u32 s1, $0x11  }
0xc1: {  	s0 =	sor.u32 s1, s0  }
0xc2: {  	s0 =	sadd.s32 $0x8F2B, s0  }
0xc3: {  	[sflag:s0] =	ssyncadd.remote.s32 $0x1  }
0xc4: {  	_ =	sfence.sel $0xFFFF  }
0xc5: {  	[dreg:$0x0] =	wrdreg $0xFFFFFFFF;
	(pc) =	sbr.abs _section_cstart, $3  }
0xc6: {  	[dreg:$0x1] =	wrdreg $0xFFFFFFFF  }
0xc7: {  	_ =	task.clear_ibuf [dreg:s10], $0x2FFFF;
	_ =	strace $0x9FFFFFFF  }
0xc8: {  	(tm) =	ssettm $0x7FFFFFFF  }
0xc9: {  	_ =	shalt  }
tec
execute0_lowered:
.L_overlay_start_1:
0x0: {  	(tag) =	ssettag $0x1  }
0x1: {  	s5 =	rddreg [dreg:$0x0]  }
0x2: {  	s6 =	rddreg [dreg:$0x1]  }
0x3: {  	s7 =	rddreg [dreg:$0x2]  }
0x4: {  	s1 =	rddreg [dreg:$0x3]  }
0x5: {  	s8 =	rddreg [dreg:$0x4]  }
0x6: {  	s0 =	rddreg [dreg:$0x5]  }
0x7: {  	s3 =	simm.s32 $0x0;
	s4 =	srdreg.scid;
	s2 =	stileid.u32  }
0x8: {  	s13 =	simm.s32 $0x600;
	s14 =	simm.s32 $0x2600;
	s15 =	simm.s32 $0x4600  }
0x9: {  	s16 =	simm.s32 $0x1;
	s17 =	simm.s32 $0x6600;
	s18 =	simm.s32 $0x0  }
0xa: {  	[smem:$0x7FF] =	sst s3;
	s4 =	sand.u32 $0x1, s4;
	s10 =	sshll.u32 s2, $0x7  }
0xb: {  	_ =	strace $0x8000004A;
	s9 =	ssub.s32 $0x2, s4;
	s11 =	sshll.u32 s4, $0x6  }
0xc: {  	s4 =	sadd.s32 $0x800, s1;
	s12 =	sshrl.u32 s9, $0x1;
	s10 =	sor.u32 s11, s10  }
0xd: {  	s11 =	simm.s32 $0x200;
	s9 =	ssub.s32 s9, s12;
	s5 =	sadd.s32 s5, s10  }
0xe: {  	v0 =	vlaneseq.u32;
	s6 =	sadd.s32 s6, s10;
	s7 =	sadd.s32 s7, s10;
	s8 =	sadd.s32 s8, s10  }
0xf: {  	v0 =	vmul.u32 $0x10, v0;
	s10 =	simm.s32 $0x2;
	s12 =	simm.s32 $0x400;
	s9 =	smax.u32 s9, $0x1  }
.LBB2_1:
0x10: {  	[tilespmem:s3], [sflag:$0x2] =	stream.linear.gather [hbm4b:s5+s3], $0x200, $0x38;
	[tilespmem:$0x6800] =	vst v63  }
0x11: {  	_ =	swait.ge [sflag:s10], $0x200  }
0x12: {  	[sflag:s10] =	ssyncset.done $0x0  }
0x13: {  	[sflag:s10] =	ssyncadd.s32 $0xFFFFFE00  }
0x14: {  	[tilespmem:s11], [sflag:$0x2] =	stream.linear.gather [hbm4b:s6+s3], $0x200, $0x38;
	[tilespmem:$0x6800] =	vst v63  }
0x15: {  	_ =	swait.ge [sflag:s10], $0x200  }
0x16: {  	[sflag:s10] =	ssyncset.done $0x0  }
0x17: {  	[sflag:s10] =	ssyncadd.s32 $0xFFFFFE00  }
0x18: {  	[tilespmem:s12], [sflag:$0x2] =	stream.linear.gather [hbm4b:s7+s3], $0x200, $0x38;
	[tilespmem:$0x6800] =	vst v63  }
0x19: {  	_ =	swait.ge [sflag:s10], $0x200  }
0x1a: {  	[sflag:s10] =	ssyncset.done $0x0  }
0x1b: {  	[sflag:s10] =	ssyncadd.s32 $0xFFFFFE00  }
0x1c: {  	[tilespmem:s13], [sflag:$0x1] =	stream.indirect.gather [hbm4b:s4+s11], $0x10, s3, s11, $0xb8;
	[tilespmem:$0x6800] =	vst v63  }
0x1d: {  	_ = 	snop  }
0x1e: {  	[tilespmem:s14], [sflag:$0x1] =	stream.indirect.gather [hbm4b:s1+s11], $0x10, s11, s11, $0xb8;
	[tilespmem:$0x6800] =	vst v63  }
0x1f: {  	_ = 	snop  }
0x20: {  	[tilespmem:s15], [sflag:$0x1] =	stream.indirect.gather [hbm4b:s4+s11], $0x10, s12, s11, $0xb8;
	[tilespmem:$0x6800] =	vst v63  }
0x21: {  	_ =	swait.ge [sflag:s16], $0x2000  }
0x22: {  	[sflag:s16] =	ssyncset.done $0x0  }
0x23: {  	v1 =	vmov s3;
	[sflag:s16] =	ssyncadd.s32 $0xFFFFE000  }
0x24: {  	v1 =	vshll.u32 v1, $0x4;
	_ =	swait.ge [sflag:s16], $0x2000  }
0x25: {  	v1 =	vor.u32 v0, v1;
	[sflag:s16] =	ssyncset.done $0x0  }
0x26: {  	v2 =	vor.u32 $0x1, v1;
	[sflag:s16] =	ssyncadd.s32 $0xFFFFE000  }
0x27: {  	_ =	swait.ge [sflag:s16], $0x2000  }
0x28: {  	[sflag:s16] =	ssyncset.done $0x0  }
0x29: {  	[sflag:s16] =	ssyncadd.s32 $0xFFFFE000  }
0x2a: {  	v3 =	vld.idx.msk [tilespmem:v1+s13+$0x0], $0xffff  }
0x2b: {  	v8 =	vor.u32 $0x2, v1;
	v5 =	vld.idx.msk [tilespmem:v2+s13+$0x0], $0xffff  }
0x2c: {  	v15 =	vor.u32 $0x3, v1;
	v6 =	vld.idx.msk [tilespmem:v2+s14+$0x0], $0xffff  }
0x2d: {  	v9 =	vor.u32 $0x4, v1;
	v7 =	vld.idx.msk [tilespmem:v1+s14+$0x0], $0xffff  }
0x2e: {  	v11 =	vld.idx.msk [tilespmem:v2+s15+$0x0], $0xffff  }
0x2f: {  	v14 =	vld.idx.msk [tilespmem:v1+s15+$0x0], $0xffff  }
0x30: {  	v10 =	vor.u32 $0x5, v1;
	v57 =	vld.idx.msk [tilespmem:v8+s14+$0x0], $0xffff  }
0x31: {  	v59 =	vld.idx.msk [tilespmem:v15+s15+$0x0], $0xffff  }
0x32: {  	v24 =	vld.idx.msk [tilespmem:v9+s14+$0x0], $0xffff  }
0x33: {  	v31 =	vor.u32 $0x6, v1;
	v21 =	vld.idx.msk [tilespmem:v9+s13+$0x0], $0xffff  }
0x34: {  	v12 =	vor.u32 $0x7, v1;
	v28 =	vld.idx.msk [tilespmem:v9+s15+$0x0], $0xffff  }
0x35: {  	v13 =	vor.u32 $0x8, v1;
	v4 =	vor.u32 $0x9, v1;
	v2 =	vor.u32 $0xA, v1;
	v32 =	vld.idx.msk [tilespmem:v10+s14+$0x0], $0xffff  }
0x36: {  	v34 =	vld.idx.msk [tilespmem:v10+s13+$0x0], $0xffff;
	v16 =	vshll.u32 v3, $0x10;
	v3 =	vand.u32 $0xFFFF0000, v3;
	v17 =	vshll.u32 v5, $0x10  }
0x37: {  	v10 =	vld.idx.msk [tilespmem:v10+s15+$0x0], $0xffff;
	v18 =	vshll.u32 v6, $0x10;
	v19 =	vshll.u32 v7, $0x10;
	v7 =	vand.u32 $0xFFFF0000, v7  }
0x38: {  	v40 =	vld.idx.msk [tilespmem:v31+s13+$0x0], $0xffff;
	v6 =	vand.u32 $0xFFFF0000, v6;
	v58 =	vshll.u32 v11, $0x10;
	v20 =	vshll.u32 v14, $0x10  }
0x39: {  	v38 =	vld.idx.msk [tilespmem:v31+s14+$0x0], $0xffff;
	v14 =	vand.u32 $0xFFFF0000, v14;
	v5 =	vand.u32 $0xFFFF0000, v5;
	v11 =	vand.u32 $0xFFFF0000, v11  }
0x3a: {  	v42 =	vld.idx.msk [tilespmem:v12+s14+$0x0], $0xffff;
	v60 =	vand.u32 $0xFFFF0000, v57;
	v63 =	vshll.u32 v59, $0x10;
	v30 =	vand.u32 $0xFFFF0000, v59  }
0x3b: {  	v43 =	vld.idx.msk [tilespmem:v12+s13+$0x0], $0xffff;
	v33 =	vand.u32 $0xFFFF0000, v24;
	v35 =	vshll.u32 v21, $0x10;
	v36 =	vand.u32 $0xFFFF0000, v21  }
0x3c: {  	v48 =	vld.idx.msk [tilespmem:v12+s15+$0x0], $0xffff;
	v37 =	vshll.u32 v28, $0x10;
	v39 =	vshll.u32 v32, $0x10;
	v9 =	vand.u32 $0xFFFF0000, v34  }
0x3d: {  	v55 =	vld.idx.msk [tilespmem:v13+s13+$0x0], $0xffff;
	v41 =	vshll.u32 v10, $0x10;
	v10 =	vand.u32 $0xFFFF0000, v10;
	v44 =	vshll.u32 v40, $0x10  }
0x3e: {  	v45 =	vshll.u32 v38, $0x10;
	v47 =	vand.u32 $0xFFFF0000, v38;
	v49 =	vand.u32 $0xFFFF0000, v40  }
0x3f: {  	v52 =	vshll.u32 v42, $0x10;
	v16 =	vadd.f32 v19, v16;
	v3 =	vadd.f32 v7, v3;
	v7 =	vld.idx.msk [tilespmem:v8+s13+$0x0], $0xffff  }
0x40: {  	v54 =	vand.u32 $0xFFFF0000, v43;
	v56 =	vand.u32 $0xFFFF0000, v42;
	v17 =	vadd.f32 v18, v17;
	v8 =	vld.idx.msk [tilespmem:v8+s15+$0x0], $0xffff  }
0x41: {  	v59 =	vshll.u32 v48, $0x10;
	v5 =	vadd.f32 v6, v5;
	v6 =	vld.idx.msk [tilespmem:v15+s14+$0x0], $0xffff;
	v16 =	vsub.f32 v16, v20  }
0x42: {  	v21 =	vshll.u32 v55, $0x10;
	v15 =	vld.idx.msk [tilespmem:v15+s13+$0x0], $0xffff;
	v14 =	vsub.f32 v3, v14;
	v17 =	vsub.f32 v17, v58  }
0x43: {  	v22 =	vand.u32 $0xFFFF0000, v55;
	v5 =	vsub.f32 v5, v11;
	v16 =	vmul.f32 v16, v16  }
0x44: {  	v18 =	vshll.u32 v57, $0x10;
	v14 =	vmul.f32 v14, v14;
	v17 =	vmul.f32 v17, v17  }
0x45: {  	v5 =	vmul.f32 v5, v5;
	v61 =	vshll.u32 v7, $0x10;
	v7 =	vand.u32 $0xFFFF0000, v7  }
0x46: {  	v53 =	vld.idx.msk [tilespmem:v13+s14+$0x0], $0xffff;
	v62 =	vshll.u32 v8, $0x10;
	v14 =	vadd.f32 v14, v16;
	v11 =	vadd.f32 v18, v61  }
0x47: {  	v25 =	vand.u32 $0xFFFF0000, v6;
	v26 =	vshll.u32 v15, $0x10;
	v7 =	vadd.f32 v60, v7  }
0x48: {  	v6 =	vshll.u32 v6, $0x10;
	v14 =	vadd.f32 v17, v14;
	v11 =	vsub.f32 v11, v62  }
0x49: {  	v8 =	vand.u32 $0xFFFF0000, v8;
	v27 =	vand.u32 $0xFFFF0000, v15;
	v6 =	vadd.f32 v6, v26  }
0x4a: {  	v7 =	vsub.f32 v7, v8;
	v5 =	vadd.f32 v14, v5;
	v29 =	vmul.f32 v11, v11  }
0x4b: {  	v23 =	vand.u32 $0xFFFF0000, v53;
	v50 =	vadd.f32 v45, v44;
	v14 =	vadd.f32 v25, v27  }
0x4c: {  	v6 =	vsub.f32 v6, v63;
	v7 =	vmul.f32 v7, v7;
	v5 =	vadd.f32 v29, v5  }
0x4d: {  	v57 =	vadd.f32 v47, v49;
	v18 =	vshll.u32 v24, $0x10;
	v11 =	vsub.f32 v14, v30  }
0x4e: {  	v6 =	vmul.f32 v6, v6;
	v14 =	vadd.f32 v18, v35;
	v5 =	vadd.f32 v5, v7  }
0x4f: {  	v20 =	vshll.u32 v53, $0x10;
	v17 =	vadd.f32 v33, v36;
	v8 =	vand.u32 $0xFFFF0000, v28  }
0x50: {  	v58 =	vld.idx.msk [tilespmem:v13+s15+$0x0], $0xffff;
	v7 =	vmul.f32 v11, v11;
	v14 =	vsub.f32 v14, v37;
	v5 =	vadd.f32 v6, v5  }
0x51: {  	v16 =	vand.u32 $0xFFFF0000, v32;
	v8 =	vsub.f32 v17, v8;
	v6 =	vshll.u32 v34, $0x10  }
0x52: {  	v14 =	vmul.f32 v14, v14;
	v6 =	vadd.f32 v39, v6;
	v5 =	vadd.f32 v5, v7  }
0x53: {  	v3 =	vor.u32 $0xB, v1;
	v13 =	vadd.f32 v20, v21;
	v15 =	vld.idx.msk [tilespmem:v31+s15+$0x0], $0xffff;
	v9 =	vadd.f32 v16, v9  }
0x54: {  	v8 =	vmul.f32 v8, v8;
	v6 =	vsub.f32 v6, v41;
	v5 =	vadd.f32 v14, v5  }
0x55: {  	v60 =	vadd.f32 v56, v54;
	v24 =	vshll.u32 v58, $0x10;
	v16 =	vadd.f32 v23, v22  }
0x56: {  	v46 =	vsub.f32 v9, v10;
	v6 =	vmul.f32 v6, v6;
	v5 =	vadd.f32 v5, v8  }
0x57: {  	v61 =	vld.idx.msk [tilespmem:v4+s14+$0x0], $0xffff;
	v62 =	vor.u32 $0xD, v1;
	v26 =	vsub.f32 v13, v24;
	v10 =	vand.u32 $0xFFFF0000, v48  }
0x58: {  	v63 =	vld.idx.msk [tilespmem:v4+s13+$0x0], $0xffff;
	v51 =	vshll.u32 v15, $0x10;
	v5 =	vadd.f32 v6, v5;
	v6 =	vmul.f32 v46, v46  }
0x59: {  	v4 =	vld.idx.msk [tilespmem:v4+s15+$0x0], $0xffff;
	v15 =	vand.u32 $0xFFFF0000, v15;
	v10 =	vsub.f32 v60, v10;
	v12 =	vsub.f32 v50, v51  }
0x5a: {  	v33 =	vld.idx.msk [tilespmem:v3+s13+$0x0], $0xffff;
	v25 =	vand.u32 $0xFFFF0000, v58;
	v5 =	vadd.f32 v5, v6;
	v6 =	vshll.u32 v43, $0x10  }
0x5b: {  	v27 =	vld.idx.msk [tilespmem:v2+s14+$0x0], $0xffff;
	v12 =	vmul.f32 v12, v12;
	v8 =	vsub.f32 v57, v15;
	v6 =	vadd.f32 v52, v6  }
0x5c: {  	v9 =	vmul.f32 v26, v26;
	v29 =	vshll.u32 v61, $0x10;
	v10 =	vmul.f32 v10, v10;
	v30 =	vld.idx.msk [tilespmem:v2+s13+$0x0], $0xffff  }
0x5d: {  	v8 =	vmul.f32 v8, v8;
	v5 =	vadd.f32 v12, v5;
	v6 =	vsub.f32 v6, v59  }
0x5e: {  	v28 =	vshll.u32 v63, $0x10;
	v31 =	vshll.u32 v4, $0x10;
	v4 =	vand.u32 $0xFFFF0000, v4  }
0x5f: {  	v2 =	vld.idx.msk [tilespmem:v2+s15+$0x0], $0xffff;
	v42 =	vshll.u32 v33, $0x10;
	v5 =	vadd.f32 v5, v8;
	v6 =	vmul.f32 v6, v6  }
0x60: {  	v44 =	vand.u32 $0xFFFF0000, v33;
	v13 =	vshll.u32 v27, $0x10;
	v34 =	vand.u32 $0xFFFF0000, v27  }
0x61: {  	v35 =	vld.idx.msk [tilespmem:v3+s14+$0x0], $0xffff;
	v36 =	vshll.u32 v30, $0x10;
	v37 =	vand.u32 $0xFFFF0000, v30;
	v5 =	vadd.f32 v6, v5  }
0x62: {  	v7 =	vor.u32 $0xC, v1;
	v14 =	vand.u32 $0xFFFF0000, v61;
	v8 =	vsub.f32 v16, v25  }
0x63: {  	v48 =	vld.idx.msk [tilespmem:v62+s14+$0x0], $0xffff;
	v12 =	vand.u32 $0xFFFF0000, v63;
	v6 =	vadd.f32 v29, v28;
	v5 =	vadd.f32 v5, v10  }
0x64: {  	v39 =	vshll.u32 v2, $0x10;
	v41 =	vor.u32 $0xE, v1;
	v32 =	vadd.f32 v14, v12  }
0x65: {  	v3 =	vld.idx.msk [tilespmem:v3+s15+$0x0], $0xffff;
	v8 =	vmul.f32 v8, v8;
	v6 =	vsub.f32 v6, v31;
	v5 =	vadd.f32 v9, v5  }
0x66: {  	v2 =	vand.u32 $0xFFFF0000, v2;
	v45 =	vand.u32 $0xFFFF0000, v35;
	v4 =	vsub.f32 v32, v4  }
0x67: {  	v40 =	vld.idx.msk [tilespmem:v7+s13+$0x0], $0xffff;
	v10 =	vadd.f32 v13, v36;
	v6 =	vmul.f32 v6, v6;
	v5 =	vadd.f32 v5, v8  }
0x68: {  	v56 =	vshll.u32 v48, $0x10;
	v1 =	vor.u32 $0xF, v1;
	v38 =	vld.idx.msk [tilespmem:v7+s14+$0x0], $0xffff;
	v8 =	vadd.f32 v34, v37  }
0x69: {  	v4 =	vmul.f32 v4, v4;
	v5 =	vadd.f32 v6, v5;
	v6 =	vsub.f32 v10, v39  }
0x6a: {  	v46 =	vshll.u32 v3, $0x10;
	v3 =	vand.u32 $0xFFFF0000, v3;
	v54 =	vld.idx.msk [tilespmem:v41+s13+$0x0], $0xffff;
	v43 =	vshll.u32 v35, $0x10  }
0x6b: {  	v2 =	vsub.f32 v8, v2;
	v4 =	vadd.f32 v5, v4;
	v5 =	vmul.f32 v6, v6;
	v6 =	vld.idx.msk [tilespmem:v7+s15+$0x0], $0xffff  }
0x6c: {  	v53 =	vld.idx.msk [tilespmem:v41+s14+$0x0], $0xffff;
	v47 =	vshll.u32 v40, $0x10;
	v49 =	vand.u32 $0xFFFF0000, v40;
	v7 =	vadd.f32 v43, v42  }
0x6d: {  	v51 =	vand.u32 $0xFFFF0000, v38;
	v2 =	vmul.f32 v2, v2;
	v4 =	vadd.f32 v5, v4  }
0x6e: {  	v8 =	vadd.f32 v45, v44;
	v5 =	vshll.u32 v38, $0x10;
	v7 =	vsub.f32 v7, v46  }
0x6f: {  	v58 =	vshll.u32 v54, $0x10;
	v2 =	vadd.f32 v4, v2;
	v4 =	vadd.f32 v5, v47;
	v5 =	vld.idx.msk [tilespmem:v62+s13+$0x0], $0xffff  }
0x70: {  	v52 =	vld.idx.msk [tilespmem:v62+s15+$0x0], $0xffff;
	v3 =	vsub.f32 v8, v3;
	v7 =	vmul.f32 v7, v7;
	v50 =	vshll.u32 v6, $0x10  }
0x71: {  	v59 =	vand.u32 $0xFFFF0000, v53;
	v8 =	vadd.f32 v51, v49;
	v4 =	vsub.f32 v4, v50  }
0x72: {  	v3 =	vmul.f32 v3, v3;
	v6 =	vand.u32 $0xFFFF0000, v6;
	v2 =	vadd.f32 v7, v2  }
0x73: {  	v10 =	vld.idx.msk [tilespmem:v41+s15+$0x0], $0xffff;
	v6 =	vsub.f32 v8, v6;
	v7 =	vand.u32 $0xFFFF0000, v48;
	v4 =	vmul.f32 v4, v4  }
0x74: {  	v57 =	vld.idx.msk [tilespmem:v1+s13+$0x0], $0xffff;
	v2 =	vadd.f32 v2, v3;
	v55 =	vshll.u32 v5, $0x10;
	v5 =	vand.u32 $0xFFFF0000, v5  }
0x75: {  	v9 =	vand.u32 $0xFFFF0000, v52;
	v8 =	vadd.f32 v56, v55;
	v5 =	vadd.f32 v7, v5  }
0x76: {  	v3 =	vmul.f32 v6, v6;
	v6 =	vshll.u32 v52, $0x10;
	v7 =	vld.idx.msk [tilespmem:v1+s14+$0x0], $0xffff;
	v2 =	vadd.f32 v4, v2  }
0x77: {  	v4 =	vshll.u32 v53, $0x10;
	v6 =	vsub.f32 v8, v6;
	v5 =	vsub.f32 v5, v9  }
0x78: {  	v60 =	vshll.u32 v10, $0x10;
	v2 =	vadd.f32 v2, v3;
	v3 =	vadd.f32 v4, v58  }
0x79: {  	v62 =	vshll.u32 v57, $0x10;
	v1 =	vld.idx.msk [tilespmem:v1+s15+$0x0], $0xffff;
	v4 =	vand.u32 $0xFFFF0000, v54;
	v6 =	vmul.f32 v6, v6  }
0x7a: {  	v4 =	vadd.f32 v59, v4;
	v5 =	vmul.f32 v5, v5;
	v3 =	vsub.f32 v3, v60  }
0x7b: {  	v61 =	vshll.u32 v7, $0x10;
	v2 =	vadd.f32 v6, v2;
	v6 =	vand.u32 $0xFFFF0000, v10  }
0x7c: {  	v3 =	vmul.f32 v3, v3;
	v4 =	vsub.f32 v4, v6;
	v6 =	vadd.f32 v61, v62  }
0x7d: {  	v2 =	vadd.f32 v2, v5;
	v5 =	vand.u32 $0xFFFF0000, v7;
	v7 =	vand.u32 $0xFFFF0000, v57  }
0x7e: {  	v63 =	vshll.u32 v1, $0x10;
	v5 =	vadd.f32 v5, v7  }
0x7f: {  	v2 =	vadd.f32 v3, v2;
	v3 =	vmul.f32 v4, v4;
	v4 =	vsub.f32 v6, v63  }
0x80: {  	v1 =	vand.u32 $0xFFFF0000, v1  }
0x81: {  	v1 =	vsub.f32 v5, v1;
	v2 =	vadd.f32 v2, v3;
	v3 =	vmul.f32 v4, v4;
	_ =	sdelay $0x1  }
0x82: {  	v1 =	vmul.f32 v1, v1;
	v2 =	vadd.f32 v3, v2;
	_ =	sdelay $0x1  }
0x83: {  	v1 =	vadd.f32 v2, v1;
	_ =	sdelay $0x1  }
0x84: {  	v2 =	vmax.f32 v1, $1.000000000e-30  }
0x85: {  	v3 =	vshrl.u32 v2, $0x1;
	v2 =	vmul.f32 $5.000000000e-01, v2  }
0x86: {  	v3 =	vsub.s32 $0x5F3759DF, v3  }
0x87: {  	v4 =	vmul.f32 v3, v2;
	_ =	sdelay $0x1  }
0x88: {  	v4 =	vmul.f32 v3, v4;
	_ =	sdelay $0x1  }
0x89: {  	v4 =	vsub.f32 $1.500000000e+00, v4;
	_ =	sdelay $0x1  }
0x8a: {  	v3 =	vmul.f32 v3, v4;
	_ =	sdelay $0x1  }
0x8b: {  	v4 =	vmul.f32 v3, v2;
	_ =	sdelay $0x1  }
0x8c: {  	v4 =	vmul.f32 v4, v3;
	_ =	sdelay $0x1  }
0x8d: {  	s20 =	simm.s32 $0x10;
	s21 =	simm.s32 $0x6600;
	s19 =	simm.s32 $0x6600;
	v4 =	vsub.f32 $1.500000000e+00, v4  }
.LBB2_2:
0x8e: {  	p0 =	sne.s32 s20, $0x1F0  }
0x8f: {  	s21 =	sadd.s32 $0x10, s21;
	s22 =	smov.u32 s20;
	s20 =	sadd.s32 $0x10, s20  }
0x90: {  	v3 =	vmul.f32 v4, v3;
	_ =	sdelay $0x1  }
0x91: {  	v2 =	vmul.f32 v3, v2;
	_ =	sdelay $0x1  }
0x92: {  	v2 =	vmul.f32 v2, v3;
	_ =	sdelay $0x1  }
0x93: {  	v2 =	vsub.f32 $1.500000000e+00, v2;
	_ =	sdelay $0x1  }
0x94: {  	v4 =	vmov s22;
	v2 =	vmul.f32 v2, v3  }
0x95: {  	v3 =	vshll.u32 v4, $0x4  }
0x96: {  	v10 =	vor.u32 v0, v3;
	v1 =	vmul.f32 v2, v1  }
0x97: {  	v11 =	vor.u32 $0x1, v10;
	v12 =	vor.u32 $0x2, v10  }
0x98: {  	v13 =	vor.u32 $0x4, v10;
	v14 =	vor.u32 $0x5, v10;
	v1 =	vsub.f32 $0.0e+00, v1  }
0x99: {  	v9 =	vor.u32 $0x7, v10;
	v8 =	vor.u32 $0x8, v10;
	v7 =	vor.u32 $0x9, v10  }
0x9a: {  	v6 =	vor.u32 $0xA, v10;
	v5 =	vor.u32 $0xB, v10;
	v4 =	vor.u32 $0xC, v10;
	[tilespmem:s19+$0x0] =	vst v1;
	s19 =	smov.u32 s21  }
0x9b: {  	v3 =	vor.u32 $0xD, v10;
	v2 =	vor.u32 $0xE, v10;
	v1 =	vor.u32 $0xF, v10;
	v15 =	vld.idx.msk [tilespmem:v10+s13+$0x0], $0xffff  }
0x9c: {  	v16 =	vld.idx.msk [tilespmem:v11+s13+$0x0], $0xffff  }
0x9d: {  	v17 =	vld.idx.msk [tilespmem:v11+s14+$0x0], $0xffff  }
0x9e: {  	v18 =	vld.idx.msk [tilespmem:v10+s14+$0x0], $0xffff  }
0x9f: {  	v11 =	vld.idx.msk [tilespmem:v11+s15+$0x0], $0xffff  }
0xa0: {  	v20 =	vor.u32 $0x3, v10;
	v19 =	vld.idx.msk [tilespmem:v10+s15+$0x0], $0xffff  }
0xa1: {  	v21 =	vshll.u32 v15, $0x10;
	v15 =	vand.u32 $0xFFFF0000, v15;
	_ =	sdelay $0x1  }
0xa2: {  	v22 =	vshll.u32 v16, $0x10;
	v23 =	vshll.u32 v17, $0x10;
	v17 =	vand.u32 $0xFFFF0000, v17;
	v24 =	vld.idx.msk [tilespmem:v12+s14+$0x0], $0xffff  }
0xa3: {  	v25 =	vshll.u32 v18, $0x10;
	v18 =	vand.u32 $0xFFFF0000, v18;
	v22 =	vadd.f32 v23, v22;
	v23 =	vld.idx.msk [tilespmem:v12+s13+$0x0], $0xffff  }
0xa4: {  	v21 =	vadd.f32 v25, v21;
	v15 =	vadd.f32 v18, v15;
	v18 =	vshll.u32 v11, $0x10;
	v25 =	vld.idx.msk [tilespmem:v20+s15+$0x0], $0xffff  }
0xa5: {  	v26 =	vshll.u32 v19, $0x10;
	v19 =	vand.u32 $0xFFFF0000, v19;
	v18 =	vsub.f32 v22, v18;
	v12 =	vld.idx.msk [tilespmem:v12+s15+$0x0], $0xffff  }
0xa6: {  	v16 =	vand.u32 $0xFFFF0000, v16;
	v21 =	vsub.f32 v21, v26;
	v15 =	vsub.f32 v15, v19;
	v19 =	vld.idx.msk [tilespmem:v20+s14+$0x0], $0xffff  }
0xa7: {  	v16 =	vadd.f32 v17, v16;
	v11 =	vand.u32 $0xFFFF0000, v11;
	v17 =	vmul.f32 v18, v18;
	v18 =	vld.idx.msk [tilespmem:v20+s13+$0x0], $0xffff  }
0xa8: {  	v20 =	vmul.f32 v21, v21;
	v15 =	vmul.f32 v15, v15;
	v21 =	vand.u32 $0xFFFF0000, v24  }
0xa9: {  	v11 =	vsub.f32 v16, v11;
	v22 =	vshll.u32 v24, $0x10;
	v16 =	vshll.u32 v23, $0x10  }
0xaa: {  	v15 =	vadd.f32 v15, v20;
	v20 =	vand.u32 $0xFFFF0000, v23;
	v16 =	vadd.f32 v22, v16  }
0xab: {  	v22 =	vshll.u32 v12, $0x10;
	v20 =	vadd.f32 v21, v20;
	v21 =	vshll.u32 v25, $0x10;
	v23 =	vld.idx.msk [tilespmem:v13+s14+$0x0], $0xffff  }
0xac: {  	v11 =	vmul.f32 v11, v11;
	v15 =	vadd.f32 v17, v15;
	v17 =	vand.u32 $0xFFFF0000, v19;
	v24 =	vld.idx.msk [tilespmem:v13+s13+$0x0], $0xffff  }
0xad: {  	v12 =	vand.u32 $0xFFFF0000, v12;
	v16 =	vsub.f32 v16, v22;
	v22 =	vshll.u32 v18, $0x10  }
0xae: {  	v11 =	vadd.f32 v15, v11;
	v15 =	vand.u32 $0xFFFF0000, v18;
	v18 =	vshll.u32 v19, $0x10;
	v13 =	vld.idx.msk [tilespmem:v13+s15+$0x0], $0xffff  }
0xaf: {  	v12 =	vsub.f32 v20, v12;
	v16 =	vmul.f32 v16, v16;
	v18 =	vadd.f32 v18, v22  }
0xb0: {  	v10 =	vor.u32 $0x6, v10;
	v19 =	vand.u32 $0xFFFF0000, v25;
	v15 =	vadd.f32 v17, v15;
	v17 =	vld.idx.msk [tilespmem:v14+s14+$0x0], $0xffff  }
0xb1: {  	v12 =	vmul.f32 v12, v12;
	v18 =	vsub.f32 v18, v21;
	v20 =	vand.u32 $0xFFFF0000, v23;
	v21 =	vld.idx.msk [tilespmem:v14+s13+$0x0], $0xffff  }
0xb2: {  	v11 =	vadd.f32 v16, v11;
	v15 =	vsub.f32 v15, v19;
	v16 =	vshll.u32 v24, $0x10  }
0xb3: {  	v22 =	vshll.u32 v23, $0x10;
	v19 =	vand.u32 $0xFFFF0000, v24;
	v18 =	vmul.f32 v18, v18;
	v14 =	vld.idx.msk [tilespmem:v14+s15+$0x0], $0xffff  }
0xb4: {  	v16 =	vadd.f32 v22, v16;
	v19 =	vadd.f32 v20, v19;
	v23 =	vshll.u32 v13, $0x10  }
0xb5: {  	v11 =	vadd.f32 v11, v12;
	v12 =	vmul.f32 v15, v15;
	v13 =	vand.u32 $0xFFFF0000, v13;
	v15 =	vld.idx.msk [tilespmem:v10+s14+$0x0], $0xffff  }
0xb6: {  	v16 =	vsub.f32 v16, v23;
	v13 =	vsub.f32 v19, v13;
	v19 =	vshll.u32 v17, $0x10;
	v20 =	vld.idx.msk [tilespmem:v10+s13+$0x0], $0xffff  }
0xb7: {  	v11 =	vadd.f32 v18, v11;
	v18 =	vshll.u32 v21, $0x10;
	v21 =	vand.u32 $0xFFFF0000, v21  }
0xb8: {  	v17 =	vand.u32 $0xFFFF0000, v17;
	v16 =	vmul.f32 v16, v16;
	v18 =	vadd.f32 v19, v18;
	v10 =	vld.idx.msk [tilespmem:v10+s15+$0x0], $0xffff  }
0xb9: {  	v11 =	vadd.f32 v11, v12;
	v12 =	vmul.f32 v13, v13;
	v13 =	vadd.f32 v17, v21;
	v17 =	vld.idx.msk [tilespmem:v9+s14+$0x0], $0xffff  }
0xba: {  	v19 =	vshll.u32 v14, $0x10;
	v21 =	vld.idx.msk [tilespmem:v9+s13+$0x0], $0xffff  }
0xbb: {  	v11 =	vadd.f32 v16, v11;
	v16 =	vsub.f32 v18, v19;
	v18 =	vand.u32 $0xFFFF0000, v15  }
0xbc: {  	v14 =	vand.u32 $0xFFFF0000, v14;
	v15 =	vshll.u32 v15, $0x10;
	v19 =	vshll.u32 v20, $0x10  }
0xbd: {  	v11 =	vadd.f32 v11, v12;
	v12 =	vsub.f32 v13, v14;
	v13 =	vmul.f32 v16, v16;
	v9 =	vld.idx.msk [tilespmem:v9+s15+$0x0], $0xffff  }
0xbe: {  	v14 =	vand.u32 $0xFFFF0000, v20;
	v15 =	vadd.f32 v15, v19;
	v16 =	vshll.u32 v10, $0x10  }
0xbf: {  	v12 =	vmul.f32 v12, v12;
	v11 =	vadd.f32 v13, v11;
	v13 =	vshll.u32 v17, $0x10;
	v19 =	vld.idx.msk [tilespmem:v8+s14+$0x0], $0xffff  }
0xc0: {  	v10 =	vand.u32 $0xFFFF0000, v10;
	v15 =	vsub.f32 v15, v16;
	v16 =	vand.u32 $0xFFFF0000, v21;
	v20 =	vld.idx.msk [tilespmem:v8+s13+$0x0], $0xffff  }
0xc1: {  	v17 =	vand.u32 $0xFFFF0000, v17;
	v11 =	vadd.f32 v11, v12;
	v12 =	vshll.u32 v21, $0x10  }
0xc2: {  	v14 =	vadd.f32 v18, v14;
	v15 =	vmul.f32 v15, v15;
	v12 =	vadd.f32 v13, v12;
	v8 =	vld.idx.msk [tilespmem:v8+s15+$0x0], $0xffff  }
0xc3: {  	v16 =	vadd.f32 v17, v16;
	v13 =	vshll.u32 v9, $0x10;
	v17 =	vld.idx.msk [tilespmem:v7+s14+$0x0], $0xffff  }
0xc4: {  	v11 =	vadd.f32 v15, v11;
	v9 =	vand.u32 $0xFFFF0000, v9;
	v12 =	vsub.f32 v12, v13;
	v13 =	vld.idx.msk [tilespmem:v7+s13+$0x0], $0xffff  }
0xc5: {  	v10 =	vsub.f32 v14, v10;
	v9 =	vsub.f32 v16, v9;
	v14 =	vshll.u32 v19, $0x10  }
0xc6: {  	v12 =	vmul.f32 v12, v12;
	v15 =	vshll.u32 v20, $0x10;
	v16 =	vand.u32 $0xFFFF0000, v20;
	v7 =	vld.idx.msk [tilespmem:v7+s15+$0x0], $0xffff  }
0xc7: {  	v10 =	vmul.f32 v10, v10;
	v18 =	vand.u32 $0xFFFF0000, v19;
	v14 =	vadd.f32 v14, v15  }
0xc8: {  	v9 =	vmul.f32 v9, v9;
	v16 =	vadd.f32 v18, v16;
	v15 =	vshll.u32 v8, $0x10  }
0xc9: {  	v10 =	vadd.f32 v11, v10;
	v8 =	vand.u32 $0xFFFF0000, v8;
	v11 =	vsub.f32 v14, v15;
	v14 =	vld.idx.msk [tilespmem:v6+s14+$0x0], $0xffff  }
0xca: {  	v8 =	vsub.f32 v16, v8;
	v16 =	vshll.u32 v17, $0x10;
	v15 =	vshll.u32 v13, $0x10;
	v18 =	vld.idx.msk [tilespmem:v6+s13+$0x0], $0xffff  }
0xcb: {  	v10 =	vadd.f32 v12, v10;
	v11 =	vmul.f32 v11, v11;
	v12 =	vadd.f32 v16, v15  }
0xcc: {  	v13 =	vand.u32 $0xFFFF0000, v13;
	v15 =	vand.u32 $0xFFFF0000, v17;
	v16 =	vshll.u32 v7, $0x10;
	v6 =	vld.idx.msk [tilespmem:v6+s15+$0x0], $0xffff  }
0xcd: {  	v9 =	vadd.f32 v10, v9;
	v8 =	vmul.f32 v8, v8;
	v10 =	vsub.f32 v12, v16;
	v12 =	vld.idx.msk [tilespmem:v5+s14+$0x0], $0xffff  }
0xce: {  	v7 =	vand.u32 $0xFFFF0000, v7;
	v13 =	vadd.f32 v15, v13;
	v15 =	vld.idx.msk [tilespmem:v5+s13+$0x0], $0xffff  }
0xcf: {  	v9 =	vadd.f32 v11, v9;
	v10 =	vmul.f32 v10, v10;
	v11 =	vand.u32 $0xFFFF0000, v14  }
0xd0: {  	v7 =	vsub.f32 v13, v7;
	v14 =	vshll.u32 v14, $0x10;
	v13 =	vshll.u32 v18, $0x10;
	v5 =	vld.idx.msk [tilespmem:v5+s15+$0x0], $0xffff  }
0xd1: {  	v8 =	vadd.f32 v9, v8;
	v9 =	vand.u32 $0xFFFF0000, v18;
	v13 =	vadd.f32 v14, v13;
	v14 =	vld.idx.msk [tilespmem:v4+s14+$0x0], $0xffff  }
0xd2: {  	v9 =	vadd.f32 v11, v9;
	v16 =	vshll.u32 v6, $0x10;
	v6 =	vand.u32 $0xFFFF0000, v6;
	v11 =	vld.idx.msk [tilespmem:v4+s13+$0x0], $0xffff  }
0xd3: {  	v7 =	vmul.f32 v7, v7;
	v8 =	vadd.f32 v10, v8;
	v10 =	vsub.f32 v13, v16  }
0xd4: {  	v6 =	vsub.f32 v9, v6;
	v13 =	vshll.u32 v12, $0x10;
	v9 =	vshll.u32 v15, $0x10;
	v4 =	vld.idx.msk [tilespmem:v4+s15+$0x0], $0xffff  }
0xd5: {  	v7 =	vadd.f32 v8, v7;
	v8 =	vmul.f32 v10, v10;
	v9 =	vadd.f32 v13, v9  }
0xd6: {  	v12 =	vand.u32 $0xFFFF0000, v12;
	v10 =	vand.u32 $0xFFFF0000, v15;
	v13 =	vshll.u32 v5, $0x10  }
0xd7: {  	v6 =	vmul.f32 v6, v6;
	v7 =	vadd.f32 v8, v7;
	v8 =	vshll.u32 v14, $0x10  }
0xd8: {  	v5 =	vand.u32 $0xFFFF0000, v5;
	v10 =	vadd.f32 v12, v10;
	v12 =	vshll.u32 v11, $0x10;
	v15 =	vld.idx.msk [tilespmem:v3+s14+$0x0], $0xffff  }
0xd9: {  	v6 =	vadd.f32 v7, v6;
	v7 =	vadd.f32 v8, v12;
	v8 =	vld.idx.msk [tilespmem:v3+s13+$0x0], $0xffff  }
0xda: {  	v5 =	vsub.f32 v10, v5;
	v10 =	vand.u32 $0xFFFF0000, v11;
	v11 =	vshll.u32 v4, $0x10  }
0xdb: {  	v9 =	vsub.f32 v9, v13;
	v12 =	vand.u32 $0xFFFF0000, v14;
	v7 =	vsub.f32 v7, v11;
	v3 =	vld.idx.msk [tilespmem:v3+s15+$0x0], $0xffff  }
0xdc: {  	v5 =	vmul.f32 v5, v5;
	v10 =	vadd.f32 v12, v10;
	v11 =	vld.idx.msk [tilespmem:v2+s14+$0x0], $0xffff  }
0xdd: {  	v9 =	vmul.f32 v9, v9;
	v4 =	vand.u32 $0xFFFF0000, v4;
	v7 =	vmul.f32 v7, v7;
	v12 =	vld.idx.msk [tilespmem:v2+s13+$0x0], $0xffff  }
0xde: {  	v4 =	vsub.f32 v10, v4;
	v10 =	vand.u32 $0xFFFF0000, v15  }
0xdf: {  	v6 =	vadd.f32 v9, v6;
	v13 =	vshll.u32 v15, $0x10;
	v9 =	vshll.u32 v8, $0x10;
	v2 =	vld.idx.msk [tilespmem:v2+s15+$0x0], $0xffff  }
0xe0: {  	v4 =	vmul.f32 v4, v4;
	v8 =	vand.u32 $0xFFFF0000, v8;
	v9 =	vadd.f32 v13, v9  }
0xe1: {  	v5 =	vadd.f32 v6, v5;
	v8 =	vadd.f32 v10, v8;
	v6 =	vshll.u32 v3, $0x10;
	v10 =	vld.idx.msk [tilespmem:v1+s14+$0x0], $0xffff  }
0xe2: {  	v3 =	vand.u32 $0xFFFF0000, v3;
	v6 =	vsub.f32 v9, v6;
	v9 =	vshll.u32 v11, $0x10;
	v13 =	vld.idx.msk [tilespmem:v1+s13+$0x0], $0xffff  }
0xe3: {  	v5 =	vadd.f32 v7, v5;
	v3 =	vsub.f32 v8, v3;
	v7 =	vand.u32 $0xFFFF0000, v12  }
0xe4: {  	v11 =	vand.u32 $0xFFFF0000, v11;
	v8 =	vshll.u32 v12, $0x10;
	v6 =	vmul.f32 v6, v6;
	v1 =	vld.idx.msk [tilespmem:v1+s15+$0x0], $0xffff  }
0xe5: {  	v4 =	vadd.f32 v5, v4;
	v8 =	vadd.f32 v9, v8;
	v5 =	vshll.u32 v2, $0x10  }
0xe6: {  	v3 =	vmul.f32 v3, v3;
	v7 =	vadd.f32 v11, v7;
	v2 =	vand.u32 $0xFFFF0000, v2  }
0xe7: {  	v4 =	vadd.f32 v6, v4;
	v5 =	vsub.f32 v8, v5;
	v6 =	vshll.u32 v10, $0x10  }
0xe8: {  	v2 =	vsub.f32 v7, v2;
	v8 =	vand.u32 $0xFFFF0000, v10;
	v7 =	vshll.u32 v13, $0x10  }
0xe9: {  	v3 =	vadd.f32 v4, v3;
	v4 =	vmul.f32 v5, v5;
	v5 =	vadd.f32 v6, v7  }
0xea: {  	v2 =	vmul.f32 v2, v2;
	v6 =	vand.u32 $0xFFFF0000, v13;
	v7 =	vshll.u32 v1, $0x10  }
0xeb: {  	v3 =	vadd.f32 v4, v3;
	v4 =	vsub.f32 v5, v7  }
0xec: {  	v1 =	vand.u32 $0xFFFF0000, v1;
	v5 =	vadd.f32 v8, v6  }
0xed: {  	v2 =	vadd.f32 v3, v2;
	v3 =	vmul.f32 v4, v4  }
0xee: {  	v1 =	vsub.f32 v5, v1  }
0xef: {  	v2 =	vadd.f32 v3, v2  }
0xf0: {  	v1 =	vmul.f32 v1, v1;
	_ =	sdelay $0x1  }
0xf1: {  	v1 =	vadd.f32 v2, v1;
	_ =	sdelay $0x1  }
0xf2: {  	v2 =	vmax.f32 v1, $1.000000000e-30  }
0xf3: {  	v3 =	vshrl.u32 v2, $0x1;
	v2 =	vmul.f32 $5.000000000e-01, v2  }
0xf4: {  	v3 =	vsub.s32 $0x5F3759DF, v3  }
0xf5: {  	v4 =	vmul.f32 v3, v2;
	_ =	sdelay $0x1  }
0xf6: {  	v4 =	vmul.f32 v3, v4;
	_ =	sdelay $0x1  }
0xf7: {  	v4 =	vsub.f32 $1.500000000e+00, v4;
	_ =	sdelay $0x1  }
0xf8: {  	v3 =	vmul.f32 v3, v4;
	_ =	sdelay $0x1  }
.Ltmp0:
0xf9: {  	v4 =	vmul.f32 v3, v2;
	(pc) =	sbr.rel @p0 .LBB2_2-.Ltmp0, $3  }
0xfa: {  	_ = 	snop  }
0xfb: {  	v4 =	vmul.f32 v4, v3;
	_ =	sdelay $0x1  }
0xfc: {  	v4 =	vsub.f32 $1.500000000e+00, v4  }
0xfd: {  	_ = 	snop  }
0xfe: {  	v3 =	vmul.f32 v4, v3;
	_ =	sdelay $0x1  }
0xff: {  	v2 =	vmul.f32 v3, v2;
	_ =	sdelay $0x1  }
0x100: {  	v2 =	vmul.f32 v2, v3;
	_ =	sdelay $0x1  }
0x101: {  	v2 =	vsub.f32 $1.500000000e+00, v2;
	_ =	sdelay $0x1  }
0x102: {  	v2 =	vmul.f32 v2, v3;
	_ =	sdelay $0x1  }
0x103: {  	v1 =	vmul.f32 v2, v1;
	_ =	sdelay $0x1  }
0x104: {  	s18 =	sadd.s32 $0x1, s18;
	v1 =	vsub.f32 $0.0e+00, v1  }
0x105: {  	p0 =	sne.s32 s18, s9  }
.Ltmp1:
0x106: {  	[tilespmem:s19+$0x0] =	vst v1;
	(pc) =	sbr.rel @p0 .LBB2_1-.Ltmp1, $4  }
0x107: {  	[hbm4b:s8+s3] =	stream.linear.scatter [tilespmem:s17], [sflag:$0x2], $0x200, $0x38;
	[tilespmem:$0x6800] =	vst v63  }
0x108: {  	_ =	swait.ge [sflag:s10], $0x200  }
0x109: {  	[sflag:s10] =	ssyncset.done $0x0  }
0x10a: {  	[sflag:s10] =	ssyncadd.s32 $0xFFFFFE00  }
0x10b: {  	_ =	sfence.sel $0x180000  }
0x10c: {  	[bflag:$0x0] =	sbarrier.arrive $0xFFFF  }
0x10d: {  	p0 =	sne.s32 s2, $0x0;
	_ =	strace $0x9000004A  }
0x10e: {  	s0 =	sadd.s32 @!p0 $0x100000, s0;
	[bflag:$0x2] =	sbarrier.arrive $0xFFFF  }
0x10f: {  	[sflag:s0] =	ssyncadd.tile.s32 @!p0 $0x1;
	_ =	shalt  }
.Lfunc_end2:
_tile_overlayer_lowered:
.L_overlay_start_2:
0x110: {  	(tag) =	ssettag $0x2  }
0x111: {  	s0 =	rddreg [dreg:$0x0];
	s2 =	stileid.u32  }
0x112: {  	s1 =	rddreg [dreg:$0x1];
	p0 =	sne.s32 s2, $0x0  }
0x113: {  	s3 =	rddreg [dreg:$0x2];
	[bflag:$0x3] =	sbarrier.arrive $0xFFFF;
	s2 =	simm.s32 @!p0 $0x1C02  }
0x114: {  	[timem:s3], [sflag:s2] =	dma.local @!p0 [hbm:s0], s1  }
0x115: {  	s0 =	simm.s32 @!p0 $0x2  }
0x116: {  	_ =	swait.ge @!p0 [sflag:s0], s1  }
0x117: {  	s1 =	ssub.s32 @!p0 $0x0, s1;
	[sflag:s0] =	ssyncset.done @!p0 $0x0  }
0x118: {  	[sflag:s0] =	ssyncadd.s32 @!p0 s1  }
0x119: {  	[bflag:$0x3] =	sbarrier.arrive $0xFFFF  }
0x11a: {  	_ =	shalt  }

// kernel: sparse-core-data-format-call.cloned.1.call-start
scs
called_computation_lowered:
.L_overlay_start_0:
0x0: {  	s1 =	sld [smem:$0x3FD9]  }
0x1: {  	s2 =	sld [smem:$0x3FFE];
	_ =	sdelay $0x1  }
0x2: {  	s3 =	srdreg.scid  }
0x3: {  	s0 =	sand.u32 $0x1, s3  }
0x4: {  	s17 =	sshll.u32 s0, $0xA;
	s1 =	sadd.s32 s2, s1  }
0x5: {  	s1 =	sadd.s32 s1, s17  }
0x6: {  	[smem:$0x3FC3] =	sst s1  }
0x7: {  	_ = 	snop  }
0x8: {  	(tm) =	ssettm $0x1  }
0x9: {  	s18 =	sld [smem:$0x3FFB];
	_ =	sdelay $0x3  }
0xa: {  	_ =	strace s18  }
0xb: {  	s1 =	sld [smem:$0x3FFC];
	_ =	sdelay $0x3  }
0xc: {  	_ =	strace s1  }
0xd: {  	s1 =	sld [smem:$0x3FFD];
	_ =	sdelay $0x3  }
0xe: {  	_ =	strace s1  }
0xf: {  	_ =	strace $0x8FFFFFFF  }
0x10: {  	s19 =	sld [smem:$0x3FDB];
	_ =	sdelay $0x1  }
0x11: {  	s20 =	simm.s32 $_scs_section_size  }
0x12: {  	s4 =	simm.s32 $_size__tile_overlayer_lowered;
	s5 =	simm.s32 $_tile_overlayer_lowered  }
0x13: {  	s23 =	simm.s32 $0x1BFF;
	s22 =	sshll.u32 s5, $0x1;
	s1 =	sadd.s32 s20, s19  }
0x14: {  	s6 =	simm.s32 $0x0;
	s21 =	sshll.u32 s4, $0x1;
	s4 =	sadd.s32 s22, s1  }
0x15: {  	[timem:s6], [sflag:s23] =	dma.local [hbm:s4], s21  }
0x16: {  	_ =	swait.ge [sflag:s23], s21  }
0x17: {  	s2 =	ssub.s32 $0x0, s21;
	[sflag:s23] =	ssyncset.done $0x0  }
0x18: {  	[sflag:s23] =	ssyncadd.s32 s2;
	_ =	sdelay $0x1  }
0x19: {  	s24 =	simm.s32 $0x1B8B  }
0x1a: {  	_ =	swait.ge [sflag:s24], $0x1  }
0x1b: {  	[sflag:s24] =	ssyncset.done $0x0  }
0x1c: {  	s26 =	simm.s32 $0x1B8E;
	s25 =	sld [smem:$0x3FFE];
	[sflag:s24] =	ssyncadd.s32 $0xFFFFFFFF  }
0x1d: {  	s27 =	simm.s32 $execute0_lowered;
	[smem:$0x3FD2] =	sst s26  }
0x1e: {  	s4 =	sshll.u32 s27, $0x1;
	_ =	strace $0x80000046;
	[dreg:$0x1] =	wrdreg $0xFFFFFFFF  }
0x1f: {  	s28 =	simm.s32 $_size_execute0_lowered;
	s1 =	sadd.s32 s1, s4;
	[dreg:$0x0] =	wrdreg $0x0  }
0x20: {  	s4 =	sshll.u32 s28, $0x1;
	[dreg:$0x2] =	wrdreg s1  }
0x21: {  	[dreg:$0x3] =	wrdreg s4  }
0x22: {  	[dreg:$0x4] =	wrdreg $0xC0  }
0x23: {  	_ =	task [dreg:s6], $0x5FFFF  }
0x24: {  	[dreg:$0x1] =	wrdreg $0xFFFFFFFF  }
0x25: {  	[dreg:$0x0] =	wrdreg $0x60  }
0x26: {  	[dreg:$0x2] =	wrdreg s25  }
0x27: {  	[dreg:$0x3] =	wrdreg $0x9  }
0x28: {  	_ =	task.clear_ibuf [dreg:s6], $0x4FFFF;
	_ =	strace $0x90000046  }
0x29: {  	s29 =	simm.s32 $0x9;
	_ =	strace $0x80000048  }
0x2a: {  	_ =	swait.ge [sflag:s29], $0x1  }
0x2b: {  	[sflag:s29] =	ssyncadd.s32 $0xFFFFFFFF  }
0x2c: {  	_ =	strace $0x90000048  }
0x2d: {  	_ =	sfence  }
0x2e: {  	s30 =	sld [smem:$0x0];
	_ =	sdelay $0x2  }
0x2f: {  	s31 =	sshll.u32 s3, $0xD;
	s3 =	sshrl.u32 s3, $0x2  }
0x30: {  	s2 =	sand.u32 $0x4000, s31;
	s1 =	sadd.s32 s3, s30  }
0x31: {  	s0 =	sor.u32 s2, s0;
	s1 =	sshll.u32 s1, $0x11  }
0x32: {  	s0 =	sor.u32 s1, s0  }
0x33: {  	s0 =	sadd.s32 $0x8F2B, s0  }
0x34: {  	[sflag:s0] =	ssyncadd.remote.s32 $0x1  }
0x35: {  	_ =	sfence.sel $0xFFFF  }
0x36: {  	[dreg:$0x0] =	wrdreg $0xFFFFFFFF;
	(pc) =	sbr.abs _section_cstart, $3  }
0x37: {  	[dreg:$0x1] =	wrdreg $0xFFFFFFFF  }
0x38: {  	_ =	task.clear_ibuf [dreg:s6], $0x2FFFF;
	_ =	strace $0x9FFFFFFF  }
0x39: {  	(tm) =	ssettm $0x7FFFFFFF  }
tec
execute0_lowered:
.L_overlay_start_1:
0x0: {  	(tag) =	ssettag $0x1  }
0x1: {  	s0 =	srdreg.scid  }
0x2: {  	s5 =	rddreg [dreg:$0x0];
	s1 =	stileid.u32;
	s4 =	simm.s32 $0x1  }
0x3: {  	s6 =	simm.s32 $0x2;
	s15 =	simm.s32 $0x0;
	p0 =	por $0x0, $0x0  }
0x4: {  	s8 =	simm.s32 $0x80;
	s14 =	simm.s32 $0x0;
	s2 =	sshll.u32 s0, $0x4  }
0x5: {  	s9 =	simm.s32 $0x0;
	s10 =	simm.s32 $0x0;
	s2 =	sand.u32 $0x10, s2  }
.Ltmp0:
0x6: {  	s12 =	simm.s32 $0x0;
	s3 =	sor.u32 s1, s2;
	(pc) =	sbr.rel .LBB1_1-.Ltmp0, $4  }
0x7: {  	s0 =	rddreg [dreg:$0x1];
	_ =	strace $0x80000047;
	s3 =	sshll.u32 s3, $0x7  }
0x8: {  	s13 =	simm.s32 $0x0;
	[sflag:s4] =	ssyncpa.u1 $0x0;
	s7 =	ssub.s32 $0xF4200, s3  }
0x9: {  	s2 =	sadd.s32 $0x1E8600, s5;
	[sflag:s6] =	ssyncpa.u1 $0x0;
	s6 =	sshrl.u32 s7, $0xC  }
0xa: {  	s5 =	sadd.s32 $0x3D0C00, s5;
	s11 =	smov.u32 s3;
	s7 =	sadd.s32 $0x2, s6  }
.LBB1_5:
0xb: {  	p1 =	slt.u32 s13, $0x2  }
0xc: {  	s17 =	smov.u32 s15;
	p2 =	sgt.s32 @!p1 s15, $0xF41C0;
	s16 =	sshra.s32 @!p1 s15, $0x1F  }
0xd: {  	p3 =	sgt.s32 @!p1 s14, $0x70;
	s18 =	sshra.s32 @!p1 s14, $0x1F;
	p2 =	por !p2, p1  }
0xe: {  	s15 =	sand.u32 @!p1 s16, s15;
	p3 =	por !p3, p1;
	s16 =	smov.u32 s14  }
0xf: {  	s14 =	sand.u32 @!p1 s18, s14;
	s17 =	simm.s32 @p2 $0xF41C0;
	s16 =	simm.s32 @p3 $0x70  }
0x10: {  	s15 =	ssub.s32 @!p1 s17, s15;
	s14 =	ssub.s32 @!p1 s16, s14  }
0x11: {  	s18 =	smov.u32 s12;
	s16 =	sadd.s32 @!p1 $0xFFF0BE40, s15;
	s17 =	sadd.s32 @!p1 $0xFFFFFF90, s14  }
0x12: {  	s15 =	ssub.s32 @!p1 $0xF4240, s15;
	p2 =	sgt.s32 @!p1 s16, $0x7F;
	p3 =	sgt.s32 @!p1 s17, $0xF  }
0x13: {  	s14 =	ssub.s32 @!p1 $0x80, s14;
	p2 =	por !p2, p1;
	p3 =	por !p3, p1  }
0x14: {  	s16 =	sadd.s32 $0x1000, s11;
	s15 =	simm.s32 @!p2 $0x0;
	s14 =	simm.s32 @!p3 $0x0  }
0x15: {  	p2 =	sgt.s32 s16, $0xF423F;
	s14 =	smul.u32 @!p1 s14, s15;
	s15 =	sadd.s32 $0x10, s12  }
0x16: {  	s18 =	smov.u32 @p2 s15  }
0x17: {  	s16 =	smov.u32 @p2 s3;
	p2 =	sgt.s32 s18, $0xF  }
0x18: {  	s18 =	simm.s32 @p2 $0x0;
	p2 =	sne.s32 s13, s7  }
.Ltmp1:
0x19: {  	p0 =	por !p0, !p0;
	s17 =	simm.s32 @!p1 $0x2;
	(pc) =	sbr.rel @!p2 .LBB1_6-.Ltmp1, $4  }
0x1a: {  	s15 =	smov.u32 s9;
	s9 =	smov.u32 s11;
	s14 =	sand.u32 @!p1 $0x3FFFFFFF, s14  }
0x1b: {  	s11 =	smov.u32 s16;
	_ =	swait.ge @!p1 [sflag:s17], s14;
	s19 =	ssub.s32 @!p1 $0x0, s14  }
0x1c: {  	s14 =	smov.u32 s10;
	s13 =	sadd.s32 $0x1, s13;
	[sflag:s17] =	ssyncset.done @!p1 $0x0  }
0x1d: {  	s10 =	smov.u32 s12;
	s12 =	smov.u32 s18;
	[sflag:s17] =	ssyncadd.s32 @!p1 s19  }
.LBB1_1:
0x1e: {  	p1 =	sgt.u32 s13, s6  }
0x1f: {  	s16 =	sshrl.u32 @!p1 s12, $0x3  }
0x20: {  	s17 =	sshll.u32 @!p1 s11, $0x3;
	s16 =	smul.u32 @!p1 $0x7A1400, s16  }
0x21: {  	s18 =	sshll.u32 @!p1 s12, $0x7;
	s17 =	sand.u32 @!p1 $0xFFFFFC00, s17  }
0x22: {  	s16 =	sadd.s32 @!p1 s16, s17;
	s17 =	sand.u32 @!p1 $0x380, s18  }
0x23: {  	s18 =	sand.u32 @!p1 $0x7F, s11;
	s16 =	sor.u32 @!p1 s17, s16  }
0x24: {  	s17 =	sor.u32 @!p1 s18, s16  }
0x25: {  	s18 =	smulhi.u32 @!p1 $0x218D6287, s17;
	_ =	sdelay $0x1  }
0x26: {  	s16 =	smulhi.u32 @!p1 $0x218D6287, s16;
	s18 =	sshrl.u32 @!p1 s18, $0x11  }
0x27: {  	s18 =	smul.u32 @!p1 $0xF4280, s18  }
0x28: {  	s19 =	sxor.u32 @!p1 $0xFFFFFFFF, s13;
	s16 =	sshrl.u32 @!p1 s16, $0x11  }
0x29: {  	s19 =	sshll.u32 @!p1 s19, $0xB;
	s16 =	sand.u32 @!p1 $0xF, s16;
	s17 =	ssub.s32 @!p1 s17, s18  }
0x2a: {  	s16 =	smul.u32 @!p1 $0x1E850, s16;
	s18 =	sshrl.u32 @!p1 s17, $0x3;
	s17 =	sand.u32 @!p1 $0x7, s17  }
0x2b: {  	s19 =	sand.u32 @!p1 $0x800, s19;
	s18 =	sadd.s32 @!p1 s2, s18;
	s17 =	sshll.u32 @!p1 s17, $0x12  }
0x2c: {  	s16 =	sadd.s32 @!p1 s16, s18;
	s17 =	sor.u32 @!p1 $0x400, s17;
	s18 =	simm.s32 @!p1 $0x7A1400  }
0x2d: {  	[tilespmem:s19], [sflag:$0x1] =	stream.strided.gather @!p1 [hbm4b:s16+s17], $0x800, s18, s17, $0x38;
	[tilespmem:$0x2100] =	vst v63  }
0x2e: {  	p1 =	seq.s32 s13, $0x0  }
0x2f: {  	p2 =	sge.u32 @!p1 s13, s7  }
0x30: {  	p1 =	por p1, p2  }
.Ltmp2:
0x31: {  	_ = 	snop;
	(pc) =	sbr.rel @p1 .LBB1_5-.Ltmp2, $1  }
0x32: {  	_ =	sdelay $0x3  }
0x33: {  	s16 =	simm.s32 $0x1  }
0x34: {  	_ =	swait.ge [sflag:s4], $0x800;
	s16 =	simm.s32 @!p0 $0x0  }
0x35: {  	[sflag:s4] =	ssyncset.done $0x0;
	s17 =	sshll.u32 s16, $0xB  }
0x36: {  	[sflag:s4] =	ssyncadd.s32 $0xFFFFF800;
	s17 =	sor.u32 $0x40, s17  }
0x37: {  	s16 =	smul.u32 $0x2200, s16;
	v0 =	vld [tilespmem:s17+$0x30]  }
0x38: {  	v1 =	vld [tilespmem:s17+$0xFFFFFFD0]  }
0x39: {  	s16 =	sshrl.u32 s16, $0x2;
	v5 =	vld [tilespmem:s17+$0xFFFFFFE0]  }
0x3a: {  	v6 =	vld [tilespmem:s17+$0xFFFFFFF0];
	s19 =	sor.u32 $0x1000, s16  }
0x3b: {  	s31 =	sand.u32 $0x1, s13;
	v4 =	vld [tilespmem:s17+$0x0];
	s18 =	sadd.s32 $0x0, s19  }
0x3c: {  	v3 =	vld [tilespmem:s17+$0x10];
	s16 =	smul.u32 $0x2200, s31;
	[tilespmem:s18+$0x770 ss:$0x11] =	vst.msk $0xffff, v0  }
0x3d: {  	v2 =	vld [tilespmem:s17+$0x20];
	[tilespmem:s18+$0x110 ss:$0x11] =	vst.msk $0xffff, v1  }
0x3e: {  	s16 =	sshrl.u32 s16, $0x2;
	v1 =	vld [tilespmem:s17+$0xFFFFFFC0];
	[tilespmem:s18+$0x220 ss:$0x11] =	vst.msk $0xffff, v5;
	s17 =	sadd.s32 $0x80, s17  }
0x3f: {  	s20 =	simm.s32 $0x4;
	s21 =	simm.s32 $0x8;
	s16 =	sor.u32 $0x1000, s16;
	[tilespmem:s18+$0x330 ss:$0x11] =	vst.msk $0xffff, v6;
	v0 =	vld [tilespmem:s17+$0x30]  }
.LBB1_3:
0x40: {  	p1 =	sne.s32 s21, $0x3C;
	v5 =	vld [tilespmem:s17+$0xFFFFFFD0];
	[tilespmem:s18+$0x440 ss:$0x11] =	vst.msk $0xffff, v4  }
0x41: {  	v6 =	vld [tilespmem:s17+$0xFFFFFFE0];
	[tilespmem:s18+$0x550 ss:$0x11] =	vst.msk $0xffff, v3  }
0x42: {  	s22 =	sshra.s32 s20, $0x2;
	s20 =	smov.u32 s21;
	v7 =	vld [tilespmem:s17+$0xFFFFFFF0];
	[tilespmem:s18+$0x660 ss:$0x11] =	vst.msk $0xffff, v2  }
.Ltmp3:
0x43: {  	v4 =	vld [tilespmem:s17+$0x0];
	[tilespmem:s18+$0x0 ss:$0x11] =	vst.msk $0xffff, v1;
	s18 =	sadd.s32 s22, s19;
	(pc) =	sbr.rel @p1 .LBB1_3-.Ltmp3, $4  }
0x44: {  	v3 =	vld [tilespmem:s17+$0x10];
	[tilespmem:s18+$0x770 ss:$0x11] =	vst.msk $0xffff, v0  }
0x45: {  	[tilespmem:s18+$0x110 ss:$0x11] =	vst.msk $0xffff, v5;
	v2 =	vld [tilespmem:s17+$0x20]  }
0x46: {  	v1 =	vld [tilespmem:s17+$0xFFFFFFC0];
	[tilespmem:s18+$0x220 ss:$0x11] =	vst.msk $0xffff, v6;
	s17 =	sadd.s32 $0x80, s17  }
0x47: {  	s21 =	sadd.s32 $0x4, s21;
	v0 =	vld [tilespmem:s17+$0x30];
	[tilespmem:s18+$0x330 ss:$0x11] =	vst.msk $0xffff, v7  }
0x48: {  	s21 =	sshll.u32 s9, $0x7;
	s22 =	sshll.u32 s10, $0x3;
	s20 =	sshra.s32 s20, $0x2  }
0x49: {  	p1 =	sgt.s32 s9, $0xF41C0;
	s30 =	sshra.s32 s9, $0x1F;
	s25 =	sshra.s32 s10, $0x1F  }
0x4a: {  	v5 =	vld [tilespmem:s17+$0xFFFFFFD0];
	s28 =	sshrl.u32 s10, $0x3;
	s23 =	sand.u32 $0xFFFFFC00, s21;
	s22 =	sand.u32 $0xFFFFFC00, s22  }
0x4b: {  	[tilespmem:s18+$0x440 ss:$0x11] =	vst.msk $0xffff, v4;
	v58 =	vld [tilespmem:s17+$0xFFFFFFE0];
	s21 =	sand.u32 $0x380, s21;
	s19 =	sadd.s32 s20, s19;
	s22 =	sadd.s32 s22, s23  }
0x4c: {  	v59 =	vld [tilespmem:s17+$0xFFFFFFF0];
	[tilespmem:s18+$0x550 ss:$0x11] =	vst.msk $0xffff, v3;
	s29 =	sor.u32 s21, s22;
	s21 =	smov.u32 s9;
	s22 =	sand.u32 s30, s9  }
0x4d: {  	v60 =	vld [tilespmem:s17+$0x0];
	[tilespmem:s18+$0x660 ss:$0x11] =	vst.msk $0xffff, v2;
	s30 =	sand.u32 $0x7, s10;
	s20 =	sshrl.u32 s29, $0x7;
	s21 =	simm.s32 @!p1 $0xF41C0  }
0x4e: {  	v61 =	vld [tilespmem:s17+$0x10];
	[tilespmem:s18+$0x0 ss:$0x11] =	vst.msk $0xffff, v1;
	p1 =	sgt.s32 s10, $0x70;
	s24 =	ssub.s32 s21, s22;
	s21 =	smov.u32 s10  }
0x4f: {  	v62 =	vld [tilespmem:s17+$0x20];
	[tilespmem:s19+$0x770 ss:$0x11] =	vst.msk $0xffff, v0;
	s31 =	smulhi.u32 $0x218DEF5, s20;
	s22 =	sand.u32 s25, s10;
	s21 =	simm.s32 @!p1 $0x70  }
0x50: {  	v63 =	vld [tilespmem:s17+$0xFFFFFFC0];
	[tilespmem:s19+$0x110 ss:$0x11] =	vst.msk $0xffff, v5;
	s26 =	sadd.s32 $0xFFF0BE40, s24;
	s17 =	ssub.s32 $0xF4240, s24;
	s21 =	ssub.s32 s21, s22  }
0x51: {  	[tilespmem:s19+$0x220 ss:$0x11] =	vst.msk $0xffff, v58;
	s23 =	sshrl.u32 s31, $0xD;
	p1 =	sgt.s32 s26, $0x7F;
	s27 =	sadd.s32 $0xFFFFFF90, s21  }
0x52: {  	[tilespmem:s19+$0x330 ss:$0x11] =	vst.msk $0xffff, v59;
	s23 =	smul.u32 $0xF4240, s23;
	s18 =	ssub.s32 $0x80, s21;
	p2 =	sgt.s32 s27, $0xF  }
.Ltmp4:
0x53: {  	[tilespmem:s19+$0x440 ss:$0x11] =	vst.msk $0xffff, v60;
	s17 =	simm.s32 @p1 $0x0;
	s18 =	simm.s32 @p2 $0x0;
	(pc) =	sbr.rel .LBB1_5-.Ltmp4, $4  }
0x54: {  	s29 =	sand.u32 $0xF, s28;
	[tilespmem:s19+$0x550 ss:$0x11] =	vst.msk $0xffff, v61;
	s20 =	ssub.s32 s20, s23;
	s17 =	smul.u32 s18, s17  }
0x55: {  	[tilespmem:s19+$0x660 ss:$0x11] =	vst.msk $0xffff, v62;
	s21 =	sshll.u32 s30, $0x12;
	s20 =	sshll.u32 s20, $0x4;
	s18 =	sadd.s32 s5, s29  }
0x56: {  	[tilespmem:s19+$0x0 ss:$0x11] =	vst.msk $0xffff, v63;
	s31 =	sor.u32 $0x10, s21;
	s18 =	sadd.s32 s20, s18;
	s17 =	sand.u32 $0x3FFFFFFF, s17  }
0x57: {  	[hbm4b:s18+s31] =	stream.strided.scatter [tilespmem:s16], [sflag:$0x2], s17, s8, s31, $0x8;
	[tilespmem:$0x2100] =	vst v63  }
.LBB1_6:
0x58: {  	_ =	sfence.sel $0x180000  }
0x59: {  	s2 =	simm.s32 $0x1;
	[bflag:$0x0] =	sbarrier.arrive $0xFFFF  }
0x5a: {  	s31 =	simm.s32 $0x2;
	[sflag:s2] =	ssyncpa.u1 $0x1  }
0x5b: {  	[sflag:s31] =	ssyncpa.u1 $0x1  }
0x5c: {  	p0 =	sne.s32 s1, $0x0;
	_ =	strace $0x90000047  }
0x5d: {  	s0 =	sadd.s32 @!p0 $0x100000, s0;
	[bflag:$0x2] =	sbarrier.arrive $0xFFFF  }
0x5e: {  	[sflag:s0] =	ssyncadd.tile.s32 @!p0 $0x1;
	_ =	shalt  }
.Lfunc_end1:
_tile_overlayer_lowered:
.L_overlay_start_2:
0x5f: {  	(tag) =	ssettag $0x2  }
0x60: {  	s0 =	rddreg [dreg:$0x0];
	s2 =	stileid.u32  }
0x61: {  	s1 =	rddreg [dreg:$0x1];
	p0 =	sne.s32 s2, $0x0  }
0x62: {  	s3 =	rddreg [dreg:$0x2];
	[bflag:$0x3] =	sbarrier.arrive $0xFFFF;
	s2 =	simm.s32 @!p0 $0x1C01  }
0x63: {  	[timem:s3], [sflag:s2] =	dma.local @!p0 [hbm:s0], s1  }
0x64: {  	s0 =	simm.s32 @!p0 $0x1  }
0x65: {  	_ =	swait.ge @!p0 [sflag:s0], s1  }
0x66: {  	s1 =	ssub.s32 @!p0 $0x0, s1;
	[sflag:s0] =	ssyncset.done @!p0 $0x0  }
0x67: {  	[sflag:s0] =	ssyncadd.s32 @!p0 s1  }
0x68: {  	[bflag:$0x3] =	sbarrier.arrive $0xFFFF  }
0x69: {  	_ =	shalt  }

</sc_bundles>
